<compile_context>
chip_gen: v7x
topology: tpu7x:2x2x1
jax: 0.10.2.dev20260603
libtpu: 0.0.44.dev20260713+nightly
codegen_flags: <defaults>
</compile_context>

<pallas_src>
import functools

import jax
import jax.numpy as jnp
from jax import lax
from jax.experimental import pallas as pl
from jax.experimental.pallas import tpu as pltpu
from jax.experimental.pallas import tpu_sc as plsc

NC = 2
NS = 16
NW = NC * NS

D = 64
C = 128
NBUF = 8

def _gather_kernel(n_chunks: int):
    mesh = plsc.VectorSubcoreMesh(
        core_axis_name="c", subcore_axis_name="s",
        num_cores=NC, num_subcores=NS)
    b_per_w = n_chunks * C

    @functools.partial(
        pl.kernel,
        out_type=jax.ShapeDtypeStruct((NW * b_per_w, 2 * D), jnp.float32),
        name="embed_row_gather",
        mesh=mesh,
        scratch_types=[
            pltpu.VMEM((n_chunks, C), jnp.int32),
            pltpu.VMEM((NBUF, C, D), jnp.float32),
        ] + [pltpu.SemaphoreType.DMA] * NBUF,
        compiler_params=pltpu.CompilerParams(use_tc_tiling_on_sc=False),
    )
    def k(table_hbm, idx_hbm, out_hbm, idx_v, rows_v, *sems):
        wid = lax.axis_index("s") * NC + lax.axis_index("c")
        base = wid * b_per_w
        pltpu.sync_copy(idx_hbm.at[wid], idx_v)

        def start(g, b):
            pltpu.make_async_copy(
                table_hbm.at[idx_v.at[g]], rows_v.at[b], sems[b]).start()

        def finish(g, b):
            pltpu.make_async_copy(
                table_hbm.at[idx_v.at[g]], rows_v.at[b], sems[b]).wait()
            pltpu.sync_copy(
                rows_v.at[b],
                out_hbm.at[pl.ds(base + g * C, C), pl.ds(0, D)])

        for b in range(NBUF):
            start(b, b)

        def body(g0, carry):
            for b in range(NBUF):
                g = g0 + b
                finish(g, b)
                start(g + NBUF, b)
            return carry

        lax.fori_loop(0, (n_chunks - NBUF) // NBUF, lambda i, c: body(i * NBUF, c), 0)
        for b in range(NBUF):
            finish(n_chunks - NBUF + b, b)

    return k


def kernel(x, W_E):
    B, S = x.shape
    n_tok = B * S
    assert n_tok % (NW * C) == 0
    n_chunks = n_tok // (NW * C)
    V = W_E.shape[1]
    table = jnp.pad(W_E.T, ((0, 0), (0, 2 * D - W_E.shape[0]))).reshape(2 * V, D)
    idx = x.reshape(NW, n_chunks, C) * 2
    out = _gather_kernel(n_chunks)(table, idx)
    return out[:, :D].reshape(B, S, D)

# --- scband reference (transcript-rebuilt; emitter-appended) ---
"""Pipeline reference for scband-embed-69441031242337 (READ-ONLY COPY).

The authoritative reference and input builder live on the scoring server;
editing this copy changes nothing except your own understanding.
"""

import jax, jax.numpy as jnp
import numpy as np

D_VOCAB = 1000000
D_MODEL = 64
BATCH = 4096
SEQ = 200

def setup_inputs(seed: int = 0) -> dict:
    key = jax.random.key(seed)
    k1, k2 = jax.random.split(key)
    x = jax.random.randint(k1, (BATCH, SEQ), 0, D_VOCAB, dtype=jnp.int64) if jax.config.jax_enable_x64 else jax.random.randint(k1, (BATCH, SEQ), 0, D_VOCAB, dtype=jnp.int32)
    W_E = (jax.random.normal(k2, (D_MODEL, D_VOCAB), dtype=jnp.float32) / np.sqrt(D_MODEL)).astype(jnp.float32)
    return {"x": x, "W_E": W_E}

def reference(x, W_E):
    # torch: t.einsum('dbp -> bpd', self.W_E[:, x])
    # W_E[:, x] gathers columns -> [d_model, batch, seq]; permute -> [batch, seq, d_model]
    gathered = jnp.take(W_E, x, axis=1)  # [d, b, p]
    return jnp.transpose(gathered, (1, 2, 0))  # [b, p, d]

if __name__ == "__main__":
    import jax
    _d = setup_inputs()
    print(jax.jit(kernel)(*tuple(_d.values())))

</pallas_src>

<mosaic_0001>
#map = affine_map<(d0, d1) -> (0, 0)>
#map1 = affine_map<(d0, d1) -> (0, 0, 0)>
module attributes {stable_mosaic.version = 14 : i64} {
  func.func @embed_row_gather(%arg0: i32, %arg1: i32, %arg2: memref<2000000x64xf32, #tpu.memory_space<hbm>>, %arg3: memref<32x200x128xi32, #tpu.memory_space<hbm>>, %arg4: memref<819200x128xf32, #tpu.memory_space<hbm>>, %arg5: memref<200x128xi32, #tpu.memory_space<vmem>>, %arg6: memref<8x128x64xf32, #tpu.memory_space<vmem>>, %arg7: memref<!tpu.dma_semaphore, #tpu.memory_space<semaphore_mem>>, %arg8: memref<!tpu.dma_semaphore, #tpu.memory_space<semaphore_mem>>, %arg9: memref<!tpu.dma_semaphore, #tpu.memory_space<semaphore_mem>>, %arg10: memref<!tpu.dma_semaphore, #tpu.memory_space<semaphore_mem>>, %arg11: memref<!tpu.dma_semaphore, #tpu.memory_space<semaphore_mem>>, %arg12: memref<!tpu.dma_semaphore, #tpu.memory_space<semaphore_mem>>, %arg13: memref<!tpu.dma_semaphore, #tpu.memory_space<semaphore_mem>>, %arg14: memref<!tpu.dma_semaphore, #tpu.memory_space<semaphore_mem>>) attributes {dimension_semantics = [#tpu.dimension_semantics<core_parallel>, #tpu.dimension_semantics<subcore_parallel>], iteration_bounds = array<i64: 2, 16>, scalar_prefetch = 0 : i64, scratch_operands = 10 : i64, tpu.core_type = #tpu.core_type<sc_vector_subcore>, window_params = [{transform_indices = #map}, {transform_indices = #map1}, {transform_indices = #map}]} {
    %mul3A = arith.constant 2 : i32
    %mul3A_0 = arith.muli %arg1, %mul3A : i32
    %add3A = arith.addi %mul3A_0, %arg0 : i32
    %mul3A_1 = arith.constant 25600 : i32
    %mul3A_2 = arith.muli %add3A, %mul3A_1 : i32
    "tpu.region"() ({
      %run_scoped3A_221 = tpu.sem_alloc : memref<!tpu.dma_semaphore, #tpu.memory_space<semaphore_mem>>
      %dma_start3A_222 = arith.constant 0 : i32
      %dma_start3A_223 = arith.constant 0 : i32
      %dma_start3A_224 = tpu.memref_slice %arg3[%add3A, %dma_start3A_222, %dma_start3A_223] : memref<32x200x128xi32, #tpu.memory_space<hbm>> -> memref<1x200x128xi32, #tpu.memory_space<hbm>>
      %dma_start3A_225 = tpu.memref_squeeze %dma_start3A_224 : memref<1x200x128xi32, #tpu.memory_space<hbm>> -> memref<200x128xi32, #tpu.memory_space<hbm>>
      %dma_start3A_226 = arith.constant 0 : i32
      %dma_start3A_227 = arith.constant 0 : i32
      %dma_start3A_228 = tpu.memref_slice %arg3[%add3A, %dma_start3A_226, %dma_start3A_227] : memref<32x200x128xi32, #tpu.memory_space<hbm>> -> memref<1x200x128xi32, #tpu.memory_space<hbm>>
      %dma_start3A_229 = tpu.memref_squeeze %dma_start3A_228 : memref<1x200x128xi32, #tpu.memory_space<hbm>> -> memref<200x128xi32, #tpu.memory_space<hbm>>
      tpu.enqueue_dma source(%dma_start3A_229 : memref<200x128xi32, #tpu.memory_space<hbm>>) target(%arg5 : memref<200x128xi32, #tpu.memory_space<vmem>>) target_semaphore(%run_scoped3A_221 : memref<!tpu.dma_semaphore, #tpu.memory_space<semaphore_mem>>)
      %dma_wait3A_230 = arith.constant 0 : i32
      %dma_wait3A_231 = arith.constant 0 : i32
      %dma_wait3A_232 = tpu.memref_slice %arg3[%add3A, %dma_wait3A_230, %dma_wait3A_231] : memref<32x200x128xi32, #tpu.memory_space<hbm>> -> memref<1x200x128xi32, #tpu.memory_space<hbm>>
      %dma_wait3A_233 = tpu.memref_squeeze %dma_wait3A_232 : memref<1x200x128xi32, #tpu.memory_space<hbm>> -> memref<200x128xi32, #tpu.memory_space<hbm>>
      %dma_wait3A_234 = arith.constant 0 : i32
      %dma_wait3A_235 = arith.constant 0 : i32
      %dma_wait3A_236 = tpu.memref_slice %arg3[%add3A, %dma_wait3A_234, %dma_wait3A_235] : memref<32x200x128xi32, #tpu.memory_space<hbm>> -> memref<1x200x128xi32, #tpu.memory_space<hbm>>
      %dma_wait3A_237 = tpu.memref_squeeze %dma_wait3A_236 : memref<1x200x128xi32, #tpu.memory_space<hbm>> -> memref<200x128xi32, #tpu.memory_space<hbm>>
      tpu.wait_dma2 semaphore(%run_scoped3A_221 : memref<!tpu.dma_semaphore, #tpu.memory_space<semaphore_mem>>) src(%dma_wait3A_237 : memref<200x128xi32, #tpu.memory_space<hbm>>) dst(%arg5 : memref<200x128xi32, #tpu.memory_space<vmem>>)
      tpu.yield
    }) : () -> ()
    %dma_start3A = arith.constant 0 : i32
    %dma_start3A_3 = arith.constant 0 : i32
    %dma_start3A_4 = arith.constant 0 : i32
    %dma_start3A_5 = arith.constant 0 : i32
    %dma_start3A_6 = tpu.memref_slice %arg6[%dma_start3A_3, %dma_start3A_4, %dma_start3A_5] : memref<8x128x64xf32, #tpu.memory_space<vmem>> -> memref<1x128x64xf32, #tpu.memory_space<vmem>>
    %dma_start3A_7 = tpu.memref_squeeze %dma_start3A_6 : memref<1x128x64xf32, #tpu.memory_space<vmem>> -> memref<128x64xf32, #tpu.memory_space<vmem>>
    %dma_start3A_8 = arith.constant 0 : i32
    %dma_start3A_9 = tpu.memref_slice %arg5[%dma_start3A, %dma_start3A_8] : memref<200x128xi32, #tpu.memory_space<vmem>> -> memref<1x128xi32, #tpu.memory_space<vmem>>
    %dma_start3A_10 = tpu.memref_squeeze %dma_start3A_9 : memref<1x128xi32, #tpu.memory_space<vmem>> -> memref<128xi32, #tpu.memory_space<vmem>>
    %dma_start3A_11 = arith.constant 0 : i32
    %dma_start3A_12 = arith.constant 0 : i32
    %dma_start3A_13 = tpu.memref_slice %arg2[%dma_start3A_11, %dma_start3A_12] : memref<2000000x64xf32, #tpu.memory_space<hbm>> -> memref<2000000x64xf32, #tpu.memory_space<hbm>>
    tpu.enqueue_indirect_dma source(%dma_start3A_13 : memref<2000000x64xf32, #tpu.memory_space<hbm>>) target(%dma_start3A_7 : memref<128x64xf32, #tpu.memory_space<vmem>>) offsets(%dma_start3A_10 : memref<128xi32, #tpu.memory_space<vmem>>) semaphore(%arg7 : memref<!tpu.dma_semaphore, #tpu.memory_space<semaphore_mem>>)
    %dma_start3A_14 = arith.constant 1 : i32
    %dma_start3A_15 = arith.constant 1 : i32
    %dma_start3A_16 = arith.constant 0 : i32
    %dma_start3A_17 = arith.constant 0 : i32
    %dma_start3A_18 = tpu.memref_slice %arg6[%dma_start3A_15, %dma_start3A_16, %dma_start3A_17] : memref<8x128x64xf32, #tpu.memory_space<vmem>> -> memref<1x128x64xf32, #tpu.memory_space<vmem>>
    %dma_start3A_19 = tpu.memref_squeeze %dma_start3A_18 : memref<1x128x64xf32, #tpu.memory_space<vmem>> -> memref<128x64xf32, #tpu.memory_space<vmem>>
    %dma_start3A_20 = arith.constant 0 : i32
    %dma_start3A_21 = tpu.memref_slice %arg5[%dma_start3A_14, %dma_start3A_20] : memref<200x128xi32, #tpu.memory_space<vmem>> -> memref<1x128xi32, #tpu.memory_space<vmem>>
    %dma_start3A_22 = tpu.memref_squeeze %dma_start3A_21 : memref<1x128xi32, #tpu.memory_space<vmem>> -> memref<128xi32, #tpu.memory_space<vmem>>
    %dma_start3A_23 = arith.constant 0 : i32
    %dma_start3A_24 = arith.constant 0 : i32
    %dma_start3A_25 = tpu.memref_slice %arg2[%dma_start3A_23, %dma_start3A_24] : memref<2000000x64xf32, #tpu.memory_space<hbm>> -> memref<2000000x64xf32, #tpu.memory_space<hbm>>
    tpu.enqueue_indirect_dma source(%dma_start3A_25 : memref<2000000x64xf32, #tpu.memory_space<hbm>>) target(%dma_start3A_19 : memref<128x64xf32, #tpu.memory_space<vmem>>) offsets(%dma_start3A_22 : memref<128xi32, #tpu.memory_space<vmem>>) semaphore(%arg8 : memref<!tpu.dma_semaphore, #tpu.memory_space<semaphore_mem>>)
    %dma_start3A_26 = arith.constant 2 : i32
    %dma_start3A_27 = arith.constant 2 : i32
    %dma_start3A_28 = arith.constant 0 : i32
    %dma_start3A_29 = arith.constant 0 : i32
    %dma_start3A_30 = tpu.memref_slice %arg6[%dma_start3A_27, %dma_start3A_28, %dma_start3A_29] : memref<8x128x64xf32, #tpu.memory_space<vmem>> -> memref<1x128x64xf32, #tpu.memory_space<vmem>>
    %dma_start3A_31 = tpu.memref_squeeze %dma_start3A_30 : memref<1x128x64xf32, #tpu.memory_space<vmem>> -> memref<128x64xf32, #tpu.memory_space<vmem>>
    %dma_start3A_32 = arith.constant 0 : i32
    %dma_start3A_33 = tpu.memref_slice %arg5[%dma_start3A_26, %dma_start3A_32] : memref<200x128xi32, #tpu.memory_space<vmem>> -> memref<1x128xi32, #tpu.memory_space<vmem>>
    %dma_start3A_34 = tpu.memref_squeeze %dma_start3A_33 : memref<1x128xi32, #tpu.memory_space<vmem>> -> memref<128xi32, #tpu.memory_space<vmem>>
    %dma_start3A_35 = arith.constant 0 : i32
    %dma_start3A_36 = arith.constant 0 : i32
    %dma_start3A_37 = tpu.memref_slice %arg2[%dma_start3A_35, %dma_start3A_36] : memref<2000000x64xf32, #tpu.memory_space<hbm>> -> memref<2000000x64xf32, #tpu.memory_space<hbm>>
    tpu.enqueue_indirect_dma source(%dma_start3A_37 : memref<2000000x64xf32, #tpu.memory_space<hbm>>) target(%dma_start3A_31 : memref<128x64xf32, #tpu.memory_space<vmem>>) offsets(%dma_start3A_34 : memref<128xi32, #tpu.memory_space<vmem>>) semaphore(%arg9 : memref<!tpu.dma_semaphore, #tpu.memory_space<semaphore_mem>>)
    %dma_start3A_38 = arith.constant 3 : i32
    %dma_start3A_39 = arith.constant 3 : i32
    %dma_start3A_40 = arith.constant 0 : i32
    %dma_start3A_41 = arith.constant 0 : i32
    %dma_start3A_42 = tpu.memref_slice %arg6[%dma_start3A_39, %dma_start3A_40, %dma_start3A_41] : memref<8x128x64xf32, #tpu.memory_space<vmem>> -> memref<1x128x64xf32, #tpu.memory_space<vmem>>
    %dma_start3A_43 = tpu.memref_squeeze %dma_start3A_42 : memref<1x128x64xf32, #tpu.memory_space<vmem>> -> memref<128x64xf32, #tpu.memory_space<vmem>>
    %dma_start3A_44 = arith.constant 0 : i32
    %dma_start3A_45 = tpu.memref_slice %arg5[%dma_start3A_38, %dma_start3A_44] : memref<200x128xi32, #tpu.memory_space<vmem>> -> memref<1x128xi32, #tpu.memory_space<vmem>>
    %dma_start3A_46 = tpu.memref_squeeze %dma_start3A_45 : memref<1x128xi32, #tpu.memory_space<vmem>> -> memref<128xi32, #tpu.memory_space<vmem>>
    %dma_start3A_47 = arith.constant 0 : i32
    %dma_start3A_48 = arith.constant 0 : i32
    %dma_start3A_49 = tpu.memref_slice %arg2[%dma_start3A_47, %dma_start3A_48] : memref<2000000x64xf32, #tpu.memory_space<hbm>> -> memref<2000000x64xf32, #tpu.memory_space<hbm>>
    tpu.enqueue_indirect_dma source(%dma_start3A_49 : memref<2000000x64xf32, #tpu.memory_space<hbm>>) target(%dma_start3A_43 : memref<128x64xf32, #tpu.memory_space<vmem>>) offsets(%dma_start3A_46 : memref<128xi32, #tpu.memory_space<vmem>>) semaphore(%arg10 : memref<!tpu.dma_semaphore, #tpu.memory_space<semaphore_mem>>)
    %dma_start3A_50 = arith.constant 4 : i32
    %dma_start3A_51 = arith.constant 4 : i32
    %dma_start3A_52 = arith.constant 0 : i32
    %dma_start3A_53 = arith.constant 0 : i32
    %dma_start3A_54 = tpu.memref_slice %arg6[%dma_start3A_51, %dma_start3A_52, %dma_start3A_53] : memref<8x128x64xf32, #tpu.memory_space<vmem>> -> memref<1x128x64xf32, #tpu.memory_space<vmem>>
    %dma_start3A_55 = tpu.memref_squeeze %dma_start3A_54 : memref<1x128x64xf32, #tpu.memory_space<vmem>> -> memref<128x64xf32, #tpu.memory_space<vmem>>
    %dma_start3A_56 = arith.constant 0 : i32
    %dma_start3A_57 = tpu.memref_slice %arg5[%dma_start3A_50, %dma_start3A_56] : memref<200x128xi32, #tpu.memory_space<vmem>> -> memref<1x128xi32, #tpu.memory_space<vmem>>
    %dma_start3A_58 = tpu.memref_squeeze %dma_start3A_57 : memref<1x128xi32, #tpu.memory_space<vmem>> -> memref<128xi32, #tpu.memory_space<vmem>>
    %dma_start3A_59 = arith.constant 0 : i32
    %dma_start3A_60 = arith.constant 0 : i32
    %dma_start3A_61 = tpu.memref_slice %arg2[%dma_start3A_59, %dma_start3A_60] : memref<2000000x64xf32, #tpu.memory_space<hbm>> -> memref<2000000x64xf32, #tpu.memory_space<hbm>>
    tpu.enqueue_indirect_dma source(%dma_start3A_61 : memref<2000000x64xf32, #tpu.memory_space<hbm>>) target(%dma_start3A_55 : memref<128x64xf32, #tpu.memory_space<vmem>>) offsets(%dma_start3A_58 : memref<128xi32, #tpu.memory_space<vmem>>) semaphore(%arg11 : memref<!tpu.dma_semaphore, #tpu.memory_space<semaphore_mem>>)
    %dma_start3A_62 = arith.constant 5 : i32
    %dma_start3A_63 = arith.constant 5 : i32
    %dma_start3A_64 = arith.constant 0 : i32
    %dma_start3A_65 = arith.constant 0 : i32
    %dma_start3A_66 = tpu.memref_slice %arg6[%dma_start3A_63, %dma_start3A_64, %dma_start3A_65] : memref<8x128x64xf32, #tpu.memory_space<vmem>> -> memref<1x128x64xf32, #tpu.memory_space<vmem>>
    %dma_start3A_67 = tpu.memref_squeeze %dma_start3A_66 : memref<1x128x64xf32, #tpu.memory_space<vmem>> -> memref<128x64xf32, #tpu.memory_space<vmem>>
    %dma_start3A_68 = arith.constant 0 : i32
    %dma_start3A_69 = tpu.memref_slice %arg5[%dma_start3A_62, %dma_start3A_68] : memref<200x128xi32, #tpu.memory_space<vmem>> -> memref<1x128xi32, #tpu.memory_space<vmem>>
    %dma_start3A_70 = tpu.memref_squeeze %dma_start3A_69 : memref<1x128xi32, #tpu.memory_space<vmem>> -> memref<128xi32, #tpu.memory_space<vmem>>
    %dma_start3A_71 = arith.constant 0 : i32
    %dma_start3A_72 = arith.constant 0 : i32
    %dma_start3A_73 = tpu.memref_slice %arg2[%dma_start3A_71, %dma_start3A_72] : memref<2000000x64xf32, #tpu.memory_space<hbm>> -> memref<2000000x64xf32, #tpu.memory_space<hbm>>
    tpu.enqueue_indirect_dma source(%dma_start3A_73 : memref<2000000x64xf32, #tpu.memory_space<hbm>>) target(%dma_start3A_67 : memref<128x64xf32, #tpu.memory_space<vmem>>) offsets(%dma_start3A_70 : memref<128xi32, #tpu.memory_space<vmem>>) semaphore(%arg12 : memref<!tpu.dma_semaphore, #tpu.memory_space<semaphore_mem>>)
    %dma_start3A_74 = arith.constant 6 : i32
    %dma_start3A_75 = arith.constant 6 : i32
    %dma_start3A_76 = arith.constant 0 : i32
    %dma_start3A_77 = arith.constant 0 : i32
    %dma_start3A_78 = tpu.memref_slice %arg6[%dma_start3A_75, %dma_start3A_76, %dma_start3A_77] : memref<8x128x64xf32, #tpu.memory_space<vmem>> -> memref<1x128x64xf32, #tpu.memory_space<vmem>>
    %dma_start3A_79 = tpu.memref_squeeze %dma_start3A_78 : memref<1x128x64xf32, #tpu.memory_space<vmem>> -> memref<128x64xf32, #tpu.memory_space<vmem>>
    %dma_start3A_80 = arith.constant 0 : i32
    %dma_start3A_81 = tpu.memref_slice %arg5[%dma_start3A_74, %dma_start3A_80] : memref<200x128xi32, #tpu.memory_space<vmem>> -> memref<1x128xi32, #tpu.memory_space<vmem>>
    %dma_start3A_82 = tpu.memref_squeeze %dma_start3A_81 : memref<1x128xi32, #tpu.memory_space<vmem>> -> memref<128xi32, #tpu.memory_space<vmem>>
    %dma_start3A_83 = arith.constant 0 : i32
    %dma_start3A_84 = arith.constant 0 : i32
    %dma_start3A_85 = tpu.memref_slice %arg2[%dma_start3A_83, %dma_start3A_84] : memref<2000000x64xf32, #tpu.memory_space<hbm>> -> memref<2000000x64xf32, #tpu.memory_space<hbm>>
    tpu.enqueue_indirect_dma source(%dma_start3A_85 : memref<2000000x64xf32, #tpu.memory_space<hbm>>) target(%dma_start3A_79 : memref<128x64xf32, #tpu.memory_space<vmem>>) offsets(%dma_start3A_82 : memref<128xi32, #tpu.memory_space<vmem>>) semaphore(%arg13 : memref<!tpu.dma_semaphore, #tpu.memory_space<semaphore_mem>>)
    %dma_start3A_86 = arith.constant 7 : i32
    %dma_start3A_87 = arith.constant 7 : i32
    %dma_start3A_88 = arith.constant 0 : i32
    %dma_start3A_89 = arith.constant 0 : i32
    %dma_start3A_90 = tpu.memref_slice %arg6[%dma_start3A_87, %dma_start3A_88, %dma_start3A_89] : memref<8x128x64xf32, #tpu.memory_space<vmem>> -> memref<1x128x64xf32, #tpu.memory_space<vmem>>
    %dma_start3A_91 = tpu.memref_squeeze %dma_start3A_90 : memref<1x128x64xf32, #tpu.memory_space<vmem>> -> memref<128x64xf32, #tpu.memory_space<vmem>>
    %dma_start3A_92 = arith.constant 0 : i32
    %dma_start3A_93 = tpu.memref_slice %arg5[%dma_start3A_86, %dma_start3A_92] : memref<200x128xi32, #tpu.memory_space<vmem>> -> memref<1x128xi32, #tpu.memory_space<vmem>>
    %dma_start3A_94 = tpu.memref_squeeze %dma_start3A_93 : memref<1x128xi32, #tpu.memory_space<vmem>> -> memref<128xi32, #tpu.memory_space<vmem>>
    %dma_start3A_95 = arith.constant 0 : i32
    %dma_start3A_96 = arith.constant 0 : i32
    %dma_start3A_97 = tpu.memref_slice %arg2[%dma_start3A_95, %dma_start3A_96] : memref<2000000x64xf32, #tpu.memory_space<hbm>> -> memref<2000000x64xf32, #tpu.memory_space<hbm>>
    tpu.enqueue_indirect_dma source(%dma_start3A_97 : memref<2000000x64xf32, #tpu.memory_space<hbm>>) target(%dma_start3A_91 : memref<128x64xf32, #tpu.memory_space<vmem>>) offsets(%dma_start3A_94 : memref<128xi32, #tpu.memory_space<vmem>>) semaphore(%arg14 : memref<!tpu.dma_semaphore, #tpu.memory_space<semaphore_mem>>)
    %scan3A = arith.constant 0 : i32
    %scan3A_98 = arith.constant 0 : i32
    %scan3A_99 = arith.constant 24 : i32
    %scan3A_100 = arith.addi %scan3A_98, %scan3A_99 : i32
    %scan3A_101 = arith.constant 1 : i32
    scf.for %scan3A_221 = %scan3A_98 to %scan3A_100 step %scan3A_101  : i32 {
      %mul3A_222 = arith.constant 8 : i32
      %mul3A_223 = arith.muli %scan3A_221, %mul3A_222 : i32
      %add3A_224 = arith.constant 0 : i32
      %add3A_225 = arith.addi %mul3A_223, %add3A_224 : i32
      %dma_wait3A_226 = arith.constant 0 : i32
      %dma_wait3A_227 = arith.constant 0 : i32
      %dma_wait3A_228 = arith.constant 0 : i32
      %dma_wait3A_229 = tpu.memref_slice %arg6[%dma_wait3A_226, %dma_wait3A_227, %dma_wait3A_228] : memref<8x128x64xf32, #tpu.memory_space<vmem>> -> memref<1x128x64xf32, #tpu.memory_space<vmem>>
      %dma_wait3A_230 = tpu.memref_squeeze %dma_wait3A_229 : memref<1x128x64xf32, #tpu.memory_space<vmem>> -> memref<128x64xf32, #tpu.memory_space<vmem>>
      %dma_wait3A_231 = arith.constant 0 : i32
      %dma_wait3A_232 = tpu.memref_slice %arg5[%add3A_225, %dma_wait3A_231] : memref<200x128xi32, #tpu.memory_space<vmem>> -> memref<1x128xi32, #tpu.memory_space<vmem>>
      %dma_wait3A_233 = tpu.memref_squeeze %dma_wait3A_232 : memref<1x128xi32, #tpu.memory_space<vmem>> -> memref<128xi32, #tpu.memory_space<vmem>>
      %dma_wait3A_234 = arith.constant 0 : i32
      %dma_wait3A_235 = arith.constant 0 : i32
      %dma_wait3A_236 = tpu.memref_slice %arg2[%dma_wait3A_234, %dma_wait3A_235] : memref<2000000x64xf32, #tpu.memory_space<hbm>> -> memref<2000000x64xf32, #tpu.memory_space<hbm>>
      tpu.wait_indirect_dma semaphore(%arg7 : memref<!tpu.dma_semaphore, #tpu.memory_space<semaphore_mem>>) src(%dma_wait3A_236 : memref<2000000x64xf32, #tpu.memory_space<hbm>>) dst(%dma_wait3A_230 : memref<128x64xf32, #tpu.memory_space<vmem>>)
      %mul3A_237 = arith.constant 128 : i32
      %mul3A_238 = arith.muli %add3A_225, %mul3A_237 : i32
      %add3A_239 = arith.addi %mul3A_2, %mul3A_238 : i32
      %run_scoped3A_240 = arith.constant 0 : i32
      "tpu.region"() ({
        %run_scoped3A_464 = tpu.sem_alloc : memref<!tpu.dma_semaphore, #tpu.memory_space<semaphore_mem>>
        %dma_start3A_465 = arith.constant 0 : i32
        %dma_start3A_466 = arith.constant 0 : i32
        %dma_start3A_467 = tpu.memref_slice %arg6[%run_scoped3A_240, %dma_start3A_465, %dma_start3A_466] : memref<8x128x64xf32, #tpu.memory_space<vmem>> -> memref<1x128x64xf32, #tpu.memory_space<vmem>>
        %dma_start3A_468 = tpu.memref_squeeze %dma_start3A_467 : memref<1x128x64xf32, #tpu.memory_space<vmem>> -> memref<128x64xf32, #tpu.memory_space<vmem>>
        %dma_start3A_469 = arith.constant 0 : i32
        %dma_start3A_470 = tpu.memref_slice %arg4[%add3A_239, %dma_start3A_469] : memref<819200x128xf32, #tpu.memory_space<hbm>> -> memref<128x64xf32, #tpu.memory_space<hbm>>
        %dma_start3A_471 = arith.constant 0 : i32
        %dma_start3A_472 = tpu.memref_slice %arg4[%add3A_239, %dma_start3A_471] : memref<819200x128xf32, #tpu.memory_space<hbm>> -> memref<128x64xf32, #tpu.memory_space<hbm>>
        %dma_start3A_473 = arith.constant 0 : i32
        %dma_start3A_474 = arith.constant 0 : i32
        %dma_start3A_475 = tpu.memref_slice %arg6[%run_scoped3A_240, %dma_start3A_473, %dma_start3A_474] : memref<8x128x64xf32, #tpu.memory_space<vmem>> -> memref<1x128x64xf32, #tpu.memory_space<vmem>>
        %dma_start3A_476 = tpu.memref_squeeze %dma_start3A_475 : memref<1x128x64xf32, #tpu.memory_space<vmem>> -> memref<128x64xf32, #tpu.memory_space<vmem>>
        tpu.enqueue_dma source(%dma_start3A_476 : memref<128x64xf32, #tpu.memory_space<vmem>>) target(%dma_start3A_472 : memref<128x64xf32, #tpu.memory_space<hbm>>) target_semaphore(%run_scoped3A_464 : memref<!tpu.dma_semaphore, #tpu.memory_space<semaphore_mem>>)
        %dma_wait3A_477 = arith.constant 0 : i32
        %dma_wait3A_478 = arith.constant 0 : i32
        %dma_wait3A_479 = tpu.memref_slice %arg6[%run_scoped3A_240, %dma_wait3A_477, %dma_wait3A_478] : memref<8x128x64xf32, #tpu.memory_space<vmem>> -> memref<1x128x64xf32, #tpu.memory_space<vmem>>
        %dma_wait3A_480 = tpu.memref_squeeze %dma_wait3A_479 : memref<1x128x64xf32, #tpu.memory_space<vmem>> -> memref<128x64xf32, #tpu.memory_space<vmem>>
        %dma_wait3A_481 = arith.constant 0 : i32
        %dma_wait3A_482 = tpu.memref_slice %arg4[%add3A_239, %dma_wait3A_481] : memref<819200x128xf32, #tpu.memory_space<hbm>> -> memref<128x64xf32, #tpu.memory_space<hbm>>
        %dma_wait3A_483 = arith.constant 0 : i32
        %dma_wait3A_484 = tpu.memref_slice %arg4[%add3A_239, %dma_wait3A_483] : memref<819200x128xf32, #tpu.memory_space<hbm>> -> memref<128x64xf32, #tpu.memory_space<hbm>>
        %dma_wait3A_485 = arith.constant 0 : i32
        %dma_wait3A_486 = arith.constant 0 : i32
        %dma_wait3A_487 = tpu.memref_slice %arg6[%run_scoped3A_240, %dma_wait3A_485, %dma_wait3A_486] : memref<8x128x64xf32, #tpu.memory_space<vmem>> -> memref<1x128x64xf32, #tpu.memory_space<vmem>>
        %dma_wait3A_488 = tpu.memref_squeeze %dma_wait3A_487 : memref<1x128x64xf32, #tpu.memory_space<vmem>> -> memref<128x64xf32, #tpu.memory_space<vmem>>
        tpu.wait_dma2 semaphore(%run_scoped3A_464 : memref<!tpu.dma_semaphore, #tpu.memory_space<semaphore_mem>>) src(%dma_wait3A_488 : memref<128x64xf32, #tpu.memory_space<vmem>>) dst(%dma_wait3A_484 : memref<128x64xf32, #tpu.memory_space<hbm>>)
        tpu.yield
      }) : () -> ()
      %add3A_241 = arith.constant 8 : i32
      %add3A_242 = arith.addi %add3A_225, %add3A_241 : i32
      %dma_start3A_243 = arith.constant 0 : i32
      %dma_start3A_244 = arith.constant 0 : i32
      %dma_start3A_245 = arith.constant 0 : i32
      %dma_start3A_246 = tpu.memref_slice %arg6[%dma_start3A_243, %dma_start3A_244, %dma_start3A_245] : memref<8x128x64xf32, #tpu.memory_space<vmem>> -> memref<1x128x64xf32, #tpu.memory_space<vmem>>
      %dma_start3A_247 = tpu.memref_squeeze %dma_start3A_246 : memref<1x128x64xf32, #tpu.memory_space<vmem>> -> memref<128x64xf32, #tpu.memory_space<vmem>>
      %dma_start3A_248 = arith.constant 0 : i32
      %dma_start3A_249 = tpu.memref_slice %arg5[%add3A_242, %dma_start3A_248] : memref<200x128xi32, #tpu.memory_space<vmem>> -> memref<1x128xi32, #tpu.memory_space<vmem>>
      %dma_start3A_250 = tpu.memref_squeeze %dma_start3A_249 : memref<1x128xi32, #tpu.memory_space<vmem>> -> memref<128xi32, #tpu.memory_space<vmem>>
      %dma_start3A_251 = arith.constant 0 : i32
      %dma_start3A_252 = arith.constant 0 : i32
      %dma_start3A_253 = tpu.memref_slice %arg2[%dma_start3A_251, %dma_start3A_252] : memref<2000000x64xf32, #tpu.memory_space<hbm>> -> memref<2000000x64xf32, #tpu.memory_space<hbm>>
      tpu.enqueue_indirect_dma source(%dma_start3A_253 : memref<2000000x64xf32, #tpu.memory_space<hbm>>) target(%dma_start3A_247 : memref<128x64xf32, #tpu.memory_space<vmem>>) offsets(%dma_start3A_250 : memref<128xi32, #tpu.memory_space<vmem>>) semaphore(%arg7 : memref<!tpu.dma_semaphore, #tpu.memory_space<semaphore_mem>>)
      %add3A_254 = arith.constant 1 : i32
      %add3A_255 = arith.addi %mul3A_223, %add3A_254 : i32
      %dma_wait3A_256 = arith.constant 1 : i32
      %dma_wait3A_257 = arith.constant 0 : i32
      %dma_wait3A_258 = arith.constant 0 : i32
      %dma_wait3A_259 = tpu.memref_slice %arg6[%dma_wait3A_256, %dma_wait3A_257, %dma_wait3A_258] : memref<8x128x64xf32, #tpu.memory_space<vmem>> -> memref<1x128x64xf32, #tpu.memory_space<vmem>>
      %dma_wait3A_260 = tpu.memref_squeeze %dma_wait3A_259 : memref<1x128x64xf32, #tpu.memory_space<vmem>> -> memref<128x64xf32, #tpu.memory_space<vmem>>
      %dma_wait3A_261 = arith.constant 0 : i32
      %dma_wait3A_262 = tpu.memref_slice %arg5[%add3A_255, %dma_wait3A_261] : memref<200x128xi32, #tpu.memory_space<vmem>> -> memref<1x128xi32, #tpu.memory_space<vmem>>
      %dma_wait3A_263 = tpu.memref_squeeze %dma_wait3A_262 : memref<1x128xi32, #tpu.memory_space<vmem>> -> memref<128xi32, #tpu.memory_space<vmem>>
      %dma_wait3A_264 = arith.constant 0 : i32
      %dma_wait3A_265 = arith.constant 0 : i32
      %dma_wait3A_266 = tpu.memref_slice %arg2[%dma_wait3A_264, %dma_wait3A_265] : memref<2000000x64xf32, #tpu.memory_space<hbm>> -> memref<2000000x64xf32, #tpu.memory_space<hbm>>
      tpu.wait_indirect_dma semaphore(%arg8 : memref<!tpu.dma_semaphore, #tpu.memory_space<semaphore_mem>>) src(%dma_wait3A_266 : memref<2000000x64xf32, #tpu.memory_space<hbm>>) dst(%dma_wait3A_260 : memref<128x64xf32, #tpu.memory_space<vmem>>)
      %mul3A_267 = arith.constant 128 : i32
      %mul3A_268 = arith.muli %add3A_255, %mul3A_267 : i32
      %add3A_269 = arith.addi %mul3A_2, %mul3A_268 : i32
      %run_scoped3A_270 = arith.constant 1 : i32
      "tpu.region"() ({
        %run_scoped3A_464 = tpu.sem_alloc : memref<!tpu.dma_semaphore, #tpu.memory_space<semaphore_mem>>
        %dma_start3A_465 = arith.constant 0 : i32
        %dma_start3A_466 = arith.constant 0 : i32
        %dma_start3A_467 = tpu.memref_slice %arg6[%run_scoped3A_270, %dma_start3A_465, %dma_start3A_466] : memref<8x128x64xf32, #tpu.memory_space<vmem>> -> memref<1x128x64xf32, #tpu.memory_space<vmem>>
        %dma_start3A_468 = tpu.memref_squeeze %dma_start3A_467 : memref<1x128x64xf32, #tpu.memory_space<vmem>> -> memref<128x64xf32, #tpu.memory_space<vmem>>
        %dma_start3A_469 = arith.constant 0 : i32
        %dma_start3A_470 = tpu.memref_slice %arg4[%add3A_269, %dma_start3A_469] : memref<819200x128xf32, #tpu.memory_space<hbm>> -> memref<128x64xf32, #tpu.memory_space<hbm>>
        %dma_start3A_471 = arith.constant 0 : i32
        %dma_start3A_472 = tpu.memref_slice %arg4[%add3A_269, %dma_start3A_471] : memref<819200x128xf32, #tpu.memory_space<hbm>> -> memref<128x64xf32, #tpu.memory_space<hbm>>
        %dma_start3A_473 = arith.constant 0 : i32
        %dma_start3A_474 = arith.constant 0 : i32
        %dma_start3A_475 = tpu.memref_slice %arg6[%run_scoped3A_270, %dma_start3A_473, %dma_start3A_474] : memref<8x128x64xf32, #tpu.memory_space<vmem>> -> memref<1x128x64xf32, #tpu.memory_space<vmem>>
        %dma_start3A_476 = tpu.memref_squeeze %dma_start3A_475 : memref<1x128x64xf32, #tpu.memory_space<vmem>> -> memref<128x64xf32, #tpu.memory_space<vmem>>
        tpu.enqueue_dma source(%dma_start3A_476 : memref<128x64xf32, #tpu.memory_space<vmem>>) target(%dma_start3A_472 : memref<128x64xf32, #tpu.memory_space<hbm>>) target_semaphore(%run_scoped3A_464 : memref<!tpu.dma_semaphore, #tpu.memory_space<semaphore_mem>>)
        %dma_wait3A_477 = arith.constant 0 : i32
        %dma_wait3A_478 = arith.constant 0 : i32
        %dma_wait3A_479 = tpu.memref_slice %arg6[%run_scoped3A_270, %dma_wait3A_477, %dma_wait3A_478] : memref<8x128x64xf32, #tpu.memory_space<vmem>> -> memref<1x128x64xf32, #tpu.memory_space<vmem>>
        %dma_wait3A_480 = tpu.memref_squeeze %dma_wait3A_479 : memref<1x128x64xf32, #tpu.memory_space<vmem>> -> memref<128x64xf32, #tpu.memory_space<vmem>>
        %dma_wait3A_481 = arith.constant 0 : i32
        %dma_wait3A_482 = tpu.memref_slice %arg4[%add3A_269, %dma_wait3A_481] : memref<819200x128xf32, #tpu.memory_space<hbm>> -> memref<128x64xf32, #tpu.memory_space<hbm>>
        %dma_wait3A_483 = arith.constant 0 : i32
        %dma_wait3A_484 = tpu.memref_slice %arg4[%add3A_269, %dma_wait3A_483] : memref<819200x128xf32, #tpu.memory_space<hbm>> -> memref<128x64xf32, #tpu.memory_space<hbm>>
        %dma_wait3A_485 = arith.constant 0 : i32
        %dma_wait3A_486 = arith.constant 0 : i32
        %dma_wait3A_487 = tpu.memref_slice %arg6[%run_scoped3A_270, %dma_wait3A_485, %dma_wait3A_486] : memref<8x128x64xf32, #tpu.memory_space<vmem>> -> memref<1x128x64xf32, #tpu.memory_space<vmem>>
        %dma_wait3A_488 = tpu.memref_squeeze %dma_wait3A_487 : memref<1x128x64xf32, #tpu.memory_space<vmem>> -> memref<128x64xf32, #tpu.memory_space<vmem>>
        tpu.wait_dma2 semaphore(%run_scoped3A_464 : memref<!tpu.dma_semaphore, #tpu.memory_space<semaphore_mem>>) src(%dma_wait3A_488 : memref<128x64xf32, #tpu.memory_space<vmem>>) dst(%dma_wait3A_484 : memref<128x64xf32, #tpu.memory_space<hbm>>)
        tpu.yield
      }) : () -> ()
      %add3A_271 = arith.constant 8 : i32
      %add3A_272 = arith.addi %add3A_255, %add3A_271 : i32
      %dma_start3A_273 = arith.constant 1 : i32
      %dma_start3A_274 = arith.constant 0 : i32
      %dma_start3A_275 = arith.constant 0 : i32
      %dma_start3A_276 = tpu.memref_slice %arg6[%dma_start3A_273, %dma_start3A_274, %dma_start3A_275] : memref<8x128x64xf32, #tpu.memory_space<vmem>> -> memref<1x128x64xf32, #tpu.memory_space<vmem>>
      %dma_start3A_277 = tpu.memref_squeeze %dma_start3A_276 : memref<1x128x64xf32, #tpu.memory_space<vmem>> -> memref<128x64xf32, #tpu.memory_space<vmem>>
      %dma_start3A_278 = arith.constant 0 : i32
      %dma_start3A_279 = tpu.memref_slice %arg5[%add3A_272, %dma_start3A_278] : memref<200x128xi32, #tpu.memory_space<vmem>> -> memref<1x128xi32, #tpu.memory_space<vmem>>
      %dma_start3A_280 = tpu.memref_squeeze %dma_start3A_279 : memref<1x128xi32, #tpu.memory_space<vmem>> -> memref<128xi32, #tpu.memory_space<vmem>>
      %dma_start3A_281 = arith.constant 0 : i32
      %dma_start3A_282 = arith.constant 0 : i32
      %dma_start3A_283 = tpu.memref_slice %arg2[%dma_start3A_281, %dma_start3A_282] : memref<2000000x64xf32, #tpu.memory_space<hbm>> -> memref<2000000x64xf32, #tpu.memory_space<hbm>>
      tpu.enqueue_indirect_dma source(%dma_start3A_283 : memref<2000000x64xf32, #tpu.memory_space<hbm>>) target(%dma_start3A_277 : memref<128x64xf32, #tpu.memory_space<vmem>>) offsets(%dma_start3A_280 : memref<128xi32, #tpu.memory_space<vmem>>) semaphore(%arg8 : memref<!tpu.dma_semaphore, #tpu.memory_space<semaphore_mem>>)
      %add3A_284 = arith.constant 2 : i32
      %add3A_285 = arith.addi %mul3A_223, %add3A_284 : i32
      %dma_wait3A_286 = arith.constant 2 : i32
      %dma_wait3A_287 = arith.constant 0 : i32
      %dma_wait3A_288 = arith.constant 0 : i32
      %dma_wait3A_289 = tpu.memref_slice %arg6[%dma_wait3A_286, %dma_wait3A_287, %dma_wait3A_288] : memref<8x128x64xf32, #tpu.memory_space<vmem>> -> memref<1x128x64xf32, #tpu.memory_space<vmem>>
      %dma_wait3A_290 = tpu.memref_squeeze %dma_wait3A_289 : memref<1x128x64xf32, #tpu.memory_space<vmem>> -> memref<128x64xf32, #tpu.memory_space<vmem>>
      %dma_wait3A_291 = arith.constant 0 : i32
      %dma_wait3A_292 = tpu.memref_slice %arg5[%add3A_285, %dma_wait3A_291] : memref<200x128xi32, #tpu.memory_space<vmem>> -> memref<1x128xi32, #tpu.memory_space<vmem>>
      %dma_wait3A_293 = tpu.memref_squeeze %dma_wait3A_292 : memref<1x128xi32, #tpu.memory_space<vmem>> -> memref<128xi32, #tpu.memory_space<vmem>>
      %dma_wait3A_294 = arith.constant 0 : i32
      %dma_wait3A_295 = arith.constant 0 : i32
      %dma_wait3A_296 = tpu.memref_slice %arg2[%dma_wait3A_294, %dma_wait3A_295] : memref<2000000x64xf32, #tpu.memory_space<hbm>> -> memref<2000000x64xf32, #tpu.memory_space<hbm>>
      tpu.wait_indirect_dma semaphore(%arg9 : memref<!tpu.dma_semaphore, #tpu.memory_space<semaphore_mem>>) src(%dma_wait3A_296 : memref<2000000x64xf32, #tpu.memory_space<hbm>>) dst(%dma_wait3A_290 : memref<128x64xf32, #tpu.memory_space<vmem>>)
      %mul3A_297 = arith.constant 128 : i32
      %mul3A_298 = arith.muli %add3A_285, %mul3A_297 : i32
      %add3A_299 = arith.addi %mul3A_2, %mul3A_298 : i32
      %run_scoped3A_300 = arith.constant 2 : i32
      "tpu.region"() ({
        %run_scoped3A_464 = tpu.sem_alloc : memref<!tpu.dma_semaphore, #tpu.memory_space<semaphore_mem>>
        %dma_start3A_465 = arith.constant 0 : i32
        %dma_start3A_466 = arith.constant 0 : i32
        %dma_start3A_467 = tpu.memref_slice %arg6[%run_scoped3A_300, %dma_start3A_465, %dma_start3A_466] : memref<8x128x64xf32, #tpu.memory_space<vmem>> -> memref<1x128x64xf32, #tpu.memory_space<vmem>>
        %dma_start3A_468 = tpu.memref_squeeze %dma_start3A_467 : memref<1x128x64xf32, #tpu.memory_space<vmem>> -> memref<128x64xf32, #tpu.memory_space<vmem>>
        %dma_start3A_469 = arith.constant 0 : i32
        %dma_start3A_470 = tpu.memref_slice %arg4[%add3A_299, %dma_start3A_469] : memref<819200x128xf32, #tpu.memory_space<hbm>> -> memref<128x64xf32, #tpu.memory_space<hbm>>
        %dma_start3A_471 = arith.constant 0 : i32
        %dma_start3A_472 = tpu.memref_slice %arg4[%add3A_299, %dma_start3A_471] : memref<819200x128xf32, #tpu.memory_space<hbm>> -> memref<128x64xf32, #tpu.memory_space<hbm>>
        %dma_start3A_473 = arith.constant 0 : i32
        %dma_start3A_474 = arith.constant 0 : i32
        %dma_start3A_475 = tpu.memref_slice %arg6[%run_scoped3A_300, %dma_start3A_473, %dma_start3A_474] : memref<8x128x64xf32, #tpu.memory_space<vmem>> -> memref<1x128x64xf32, #tpu.memory_space<vmem>>
        %dma_start3A_476 = tpu.memref_squeeze %dma_start3A_475 : memref<1x128x64xf32, #tpu.memory_space<vmem>> -> memref<128x64xf32, #tpu.memory_space<vmem>>
        tpu.enqueue_dma source(%dma_start3A_476 : memref<128x64xf32, #tpu.memory_space<vmem>>) target(%dma_start3A_472 : memref<128x64xf32, #tpu.memory_space<hbm>>) target_semaphore(%run_scoped3A_464 : memref<!tpu.dma_semaphore, #tpu.memory_space<semaphore_mem>>)
        %dma_wait3A_477 = arith.constant 0 : i32
        %dma_wait3A_478 = arith.constant 0 : i32
        %dma_wait3A_479 = tpu.memref_slice %arg6[%run_scoped3A_300, %dma_wait3A_477, %dma_wait3A_478] : memref<8x128x64xf32, #tpu.memory_space<vmem>> -> memref<1x128x64xf32, #tpu.memory_space<vmem>>
        %dma_wait3A_480 = tpu.memref_squeeze %dma_wait3A_479 : memref<1x128x64xf32, #tpu.memory_space<vmem>> -> memref<128x64xf32, #tpu.memory_space<vmem>>
        %dma_wait3A_481 = arith.constant 0 : i32
        %dma_wait3A_482 = tpu.memref_slice %arg4[%add3A_299, %dma_wait3A_481] : memref<819200x128xf32, #tpu.memory_space<hbm>> -> memref<128x64xf32, #tpu.memory_space<hbm>>
        %dma_wait3A_483 = arith.constant 0 : i32
        %dma_wait3A_484 = tpu.memref_slice %arg4[%add3A_299, %dma_wait3A_483] : memref<819200x128xf32, #tpu.memory_space<hbm>> -> memref<128x64xf32, #tpu.memory_space<hbm>>
        %dma_wait3A_485 = arith.constant 0 : i32
        %dma_wait3A_486 = arith.constant 0 : i32
        %dma_wait3A_487 = tpu.memref_slice %arg6[%run_scoped3A_300, %dma_wait3A_485, %dma_wait3A_486] : memref<8x128x64xf32, #tpu.memory_space<vmem>> -> memref<1x128x64xf32, #tpu.memory_space<vmem>>
        %dma_wait3A_488 = tpu.memref_squeeze %dma_wait3A_487 : memref<1x128x64xf32, #tpu.memory_space<vmem>> -> memref<128x64xf32, #tpu.memory_space<vmem>>
        tpu.wait_dma2 semaphore(%run_scoped3A_464 : memref<!tpu.dma_semaphore, #tpu.memory_space<semaphore_mem>>) src(%dma_wait3A_488 : memref<128x64xf32, #tpu.memory_space<vmem>>) dst(%dma_wait3A_484 : memref<128x64xf32, #tpu.memory_space<hbm>>)
        tpu.yield
      }) : () -> ()
      %add3A_301 = arith.constant 8 : i32
      %add3A_302 = arith.addi %add3A_285, %add3A_301 : i32
      %dma_start3A_303 = arith.constant 2 : i32
      %dma_start3A_304 = arith.constant 0 : i32
      %dma_start3A_305 = arith.constant 0 : i32
      %dma_start3A_306 = tpu.memref_slice %arg6[%dma_start3A_303, %dma_start3A_304, %dma_start3A_305] : memref<8x128x64xf32, #tpu.memory_space<vmem>> -> memref<1x128x64xf32, #tpu.memory_space<vmem>>
      %dma_start3A_307 = tpu.memref_squeeze %dma_start3A_306 : memref<1x128x64xf32, #tpu.memory_space<vmem>> -> memref<128x64xf32, #tpu.memory_space<vmem>>
      %dma_start3A_308 = arith.constant 0 : i32
      %dma_start3A_309 = tpu.memref_slice %arg5[%add3A_302, %dma_start3A_308] : memref<200x128xi32, #tpu.memory_space<vmem>> -> memref<1x128xi32, #tpu.memory_space<vmem>>
      %dma_start3A_310 = tpu.memref_squeeze %dma_start3A_309 : memref<1x128xi32, #tpu.memory_space<vmem>> -> memref<128xi32, #tpu.memory_space<vmem>>
      %dma_start3A_311 = arith.constant 0 : i32
      %dma_start3A_312 = arith.constant 0 : i32
      %dma_start3A_313 = tpu.memref_slice %arg2[%dma_start3A_311, %dma_start3A_312] : memref<2000000x64xf32, #tpu.memory_space<hbm>> -> memref<2000000x64xf32, #tpu.memory_space<hbm>>
      tpu.enqueue_indirect_dma source(%dma_start3A_313 : memref<2000000x64xf32, #tpu.memory_space<hbm>>) target(%dma_start3A_307 : memref<128x64xf32, #tpu.memory_space<vmem>>) offsets(%dma_start3A_310 : memref<128xi32, #tpu.memory_space<vmem>>) semaphore(%arg9 : memref<!tpu.dma_semaphore, #tpu.memory_space<semaphore_mem>>)
      %add3A_314 = arith.constant 3 : i32
      %add3A_315 = arith.addi %mul3A_223, %add3A_314 : i32
      %dma_wait3A_316 = arith.constant 3 : i32
      %dma_wait3A_317 = arith.constant 0 : i32
      %dma_wait3A_318 = arith.constant 0 : i32
      %dma_wait3A_319 = tpu.memref_slice %arg6[%dma_wait3A_316, %dma_wait3A_317, %dma_wait3A_318] : memref<8x128x64xf32, #tpu.memory_space<vmem>> -> memref<1x128x64xf32, #tpu.memory_space<vmem>>
      %dma_wait3A_320 = tpu.memref_squeeze %dma_wait3A_319 : memref<1x128x64xf32, #tpu.memory_space<vmem>> -> memref<128x64xf32, #tpu.memory_space<vmem>>
      %dma_wait3A_321 = arith.constant 0 : i32
      %dma_wait3A_322 = tpu.memref_slice %arg5[%add3A_315, %dma_wait3A_321] : memref<200x128xi32, #tpu.memory_space<vmem>> -> memref<1x128xi32, #tpu.memory_space<vmem>>
      %dma_wait3A_323 = tpu.memref_squeeze %dma_wait3A_322 : memref<1x128xi32, #tpu.memory_space<vmem>> -> memref<128xi32, #tpu.memory_space<vmem>>
      %dma_wait3A_324 = arith.constant 0 : i32
      %dma_wait3A_325 = arith.constant 0 : i32
      %dma_wait3A_326 = tpu.memref_slice %arg2[%dma_wait3A_324, %dma_wait3A_325] : memref<2000000x64xf32, #tpu.memory_space<hbm>> -> memref<2000000x64xf32, #tpu.memory_space<hbm>>
      tpu.wait_indirect_dma semaphore(%arg10 : memref<!tpu.dma_semaphore, #tpu.memory_space<semaphore_mem>>) src(%dma_wait3A_326 : memref<2000000x64xf32, #tpu.memory_space<hbm>>) dst(%dma_wait3A_320 : memref<128x64xf32, #tpu.memory_space<vmem>>)
      %mul3A_327 = arith.constant 128 : i32
      %mul3A_328 = arith.muli %add3A_315, %mul3A_327 : i32
      %add3A_329 = arith.addi %mul3A_2, %mul3A_328 : i32
      %run_scoped3A_330 = arith.constant 3 : i32
      "tpu.region"() ({
        %run_scoped3A_464 = tpu.sem_alloc : memref<!tpu.dma_semaphore, #tpu.memory_space<semaphore_mem>>
        %dma_start3A_465 = arith.constant 0 : i32
        %dma_start3A_466 = arith.constant 0 : i32
        %dma_start3A_467 = tpu.memref_slice %arg6[%run_scoped3A_330, %dma_start3A_465, %dma_start3A_466] : memref<8x128x64xf32, #tpu.memory_space<vmem>> -> memref<1x128x64xf32, #tpu.memory_space<vmem>>
        %dma_start3A_468 = tpu.memref_squeeze %dma_start3A_467 : memref<1x128x64xf32, #tpu.memory_space<vmem>> -> memref<128x64xf32, #tpu.memory_space<vmem>>
        %dma_start3A_469 = arith.constant 0 : i32
        %dma_start3A_470 = tpu.memref_slice %arg4[%add3A_329, %dma_start3A_469] : memref<819200x128xf32, #tpu.memory_space<hbm>> -> memref<128x64xf32, #tpu.memory_space<hbm>>
        %dma_start3A_471 = arith.constant 0 : i32
        %dma_start3A_472 = tpu.memref_slice %arg4[%add3A_329, %dma_start3A_471] : memref<819200x128xf32, #tpu.memory_space<hbm>> -> memref<128x64xf32, #tpu.memory_space<hbm>>
        %dma_start3A_473 = arith.constant 0 : i32
        %dma_start3A_474 = arith.constant 0 : i32
        %dma_start3A_475 = tpu.memref_slice %arg6[%run_scoped3A_330, %dma_start3A_473, %dma_start3A_474] : memref<8x128x64xf32, #tpu.memory_space<vmem>> -> memref<1x128x64xf32, #tpu.memory_space<vmem>>
        %dma_start3A_476 = tpu.memref_squeeze %dma_start3A_475 : memref<1x128x64xf32, #tpu.memory_space<vmem>> -> memref<128x64xf32, #tpu.memory_space<vmem>>
        tpu.enqueue_dma source(%dma_start3A_476 : memref<128x64xf32, #tpu.memory_space<vmem>>) target(%dma_start3A_472 : memref<128x64xf32, #tpu.memory_space<hbm>>) target_semaphore(%run_scoped3A_464 : memref<!tpu.dma_semaphore, #tpu.memory_space<semaphore_mem>>)
        %dma_wait3A_477 = arith.constant 0 : i32
        %dma_wait3A_478 = arith.constant 0 : i32
        %dma_wait3A_479 = tpu.memref_slice %arg6[%run_scoped3A_330, %dma_wait3A_477, %dma_wait3A_478] : memref<8x128x64xf32, #tpu.memory_space<vmem>> -> memref<1x128x64xf32, #tpu.memory_space<vmem>>
        %dma_wait3A_480 = tpu.memref_squeeze %dma_wait3A_479 : memref<1x128x64xf32, #tpu.memory_space<vmem>> -> memref<128x64xf32, #tpu.memory_space<vmem>>
        %dma_wait3A_481 = arith.constant 0 : i32
        %dma_wait3A_482 = tpu.memref_slice %arg4[%add3A_329, %dma_wait3A_481] : memref<819200x128xf32, #tpu.memory_space<hbm>> -> memref<128x64xf32, #tpu.memory_space<hbm>>
        %dma_wait3A_483 = arith.constant 0 : i32
        %dma_wait3A_484 = tpu.memref_slice %arg4[%add3A_329, %dma_wait3A_483] : memref<819200x128xf32, #tpu.memory_space<hbm>> -> memref<128x64xf32, #tpu.memory_space<hbm>>
        %dma_wait3A_485 = arith.constant 0 : i32
        %dma_wait3A_486 = arith.constant 0 : i32
        %dma_wait3A_487 = tpu.memref_slice %arg6[%run_scoped3A_330, %dma_wait3A_485, %dma_wait3A_486] : memref<8x128x64xf32, #tpu.memory_space<vmem>> -> memref<1x128x64xf32, #tpu.memory_space<vmem>>
        %dma_wait3A_488 = tpu.memref_squeeze %dma_wait3A_487 : memref<1x128x64xf32, #tpu.memory_space<vmem>> -> memref<128x64xf32, #tpu.memory_space<vmem>>
        tpu.wait_dma2 semaphore(%run_scoped3A_464 : memref<!tpu.dma_semaphore, #tpu.memory_space<semaphore_mem>>) src(%dma_wait3A_488 : memref<128x64xf32, #tpu.memory_space<vmem>>) dst(%dma_wait3A_484 : memref<128x64xf32, #tpu.memory_space<hbm>>)
        tpu.yield
      }) : () -> ()
      %add3A_331 = arith.constant 8 : i32
      %add3A_332 = arith.addi %add3A_315, %add3A_331 : i32
      %dma_start3A_333 = arith.constant 3 : i32
      %dma_start3A_334 = arith.constant 0 : i32
      %dma_start3A_335 = arith.constant 0 : i32
      %dma_start3A_336 = tpu.memref_slice %arg6[%dma_start3A_333, %dma_start3A_334, %dma_start3A_335] : memref<8x128x64xf32, #tpu.memory_space<vmem>> -> memref<1x128x64xf32, #tpu.memory_space<vmem>>
      %dma_start3A_337 = tpu.memref_squeeze %dma_start3A_336 : memref<1x128x64xf32, #tpu.memory_space<vmem>> -> memref<128x64xf32, #tpu.memory_space<vmem>>
      %dma_start3A_338 = arith.constant 0 : i32
      %dma_start3A_339 = tpu.memref_slice %arg5[%add3A_332, %dma_start3A_338] : memref<200x128xi32, #tpu.memory_space<vmem>> -> memref<1x128xi32, #tpu.memory_space<vmem>>
      %dma_start3A_340 = tpu.memref_squeeze %dma_start3A_339 : memref<1x128xi32, #tpu.memory_space<vmem>> -> memref<128xi32, #tpu.memory_space<vmem>>
      %dma_start3A_341 = arith.constant 0 : i32
      %dma_start3A_342 = arith.constant 0 : i32
      %dma_start3A_343 = tpu.memref_slice %arg2[%dma_start3A_341, %dma_start3A_342] : memref<2000000x64xf32, #tpu.memory_space<hbm>> -> memref<2000000x64xf32, #tpu.memory_space<hbm>>
      tpu.enqueue_indirect_dma source(%dma_start3A_343 : memref<2000000x64xf32, #tpu.memory_space<hbm>>) target(%dma_start3A_337 : memref<128x64xf32, #tpu.memory_space<vmem>>) offsets(%dma_start3A_340 : memref<128xi32, #tpu.memory_space<vmem>>) semaphore(%arg10 : memref<!tpu.dma_semaphore, #tpu.memory_space<semaphore_mem>>)
      %add3A_344 = arith.constant 4 : i32
      %add3A_345 = arith.addi %mul3A_223, %add3A_344 : i32
      %dma_wait3A_346 = arith.constant 4 : i32
      %dma_wait3A_347 = arith.constant 0 : i32
      %dma_wait3A_348 = arith.constant 0 : i32
      %dma_wait3A_349 = tpu.memref_slice %arg6[%dma_wait3A_346, %dma_wait3A_347, %dma_wait3A_348] : memref<8x128x64xf32, #tpu.memory_space<vmem>> -> memref<1x128x64xf32, #tpu.memory_space<vmem>>
      %dma_wait3A_350 = tpu.memref_squeeze %dma_wait3A_349 : memref<1x128x64xf32, #tpu.memory_space<vmem>> -> memref<128x64xf32, #tpu.memory_space<vmem>>
      %dma_wait3A_351 = arith.constant 0 : i32
      %dma_wait3A_352 = tpu.memref_slice %arg5[%add3A_345, %dma_wait3A_351] : memref<200x128xi32, #tpu.memory_space<vmem>> -> memref<1x128xi32, #tpu.memory_space<vmem>>
      %dma_wait3A_353 = tpu.memref_squeeze %dma_wait3A_352 : memref<1x128xi32, #tpu.memory_space<vmem>> -> memref<128xi32, #tpu.memory_space<vmem>>
      %dma_wait3A_354 = arith.constant 0 : i32
      %dma_wait3A_355 = arith.constant 0 : i32
      %dma_wait3A_356 = tpu.memref_slice %arg2[%dma_wait3A_354, %dma_wait3A_355] : memref<2000000x64xf32, #tpu.memory_space<hbm>> -> memref<2000000x64xf32, #tpu.memory_space<hbm>>
      tpu.wait_indirect_dma semaphore(%arg11 : memref<!tpu.dma_semaphore, #tpu.memory_space<semaphore_mem>>) src(%dma_wait3A_356 : memref<2000000x64xf32, #tpu.memory_space<hbm>>) dst(%dma_wait3A_350 : memref<128x64xf32, #tpu.memory_space<vmem>>)
      %mul3A_357 = arith.constant 128 : i32
      %mul3A_358 = arith.muli %add3A_345, %mul3A_357 : i32
      %add3A_359 = arith.addi %mul3A_2, %mul3A_358 : i32
      %run_scoped3A_360 = arith.constant 4 : i32
      "tpu.region"() ({
        %run_scoped3A_464 = tpu.sem_alloc : memref<!tpu.dma_semaphore, #tpu.memory_space<semaphore_mem>>
        %dma_start3A_465 = arith.constant 0 : i32
        %dma_start3A_466 = arith.constant 0 : i32
        %dma_start3A_467 = tpu.memref_slice %arg6[%run_scoped3A_360, %dma_start3A_465, %dma_start3A_466] : memref<8x128x64xf32, #tpu.memory_space<vmem>> -> memref<1x128x64xf32, #tpu.memory_space<vmem>>
        %dma_start3A_468 = tpu.memref_squeeze %dma_start3A_467 : memref<1x128x64xf32, #tpu.memory_space<vmem>> -> memref<128x64xf32, #tpu.memory_space<vmem>>
        %dma_start3A_469 = arith.constant 0 : i32
        %dma_start3A_470 = tpu.memref_slice %arg4[%add3A_359, %dma_start3A_469] : memref<819200x128xf32, #tpu.memory_space<hbm>> -> memref<128x64xf32, #tpu.memory_space<hbm>>
        %dma_start3A_471 = arith.constant 0 : i32
        %dma_start3A_472 = tpu.memref_slice %arg4[%add3A_359, %dma_start3A_471] : memref<819200x128xf32, #tpu.memory_space<hbm>> -> memref<128x64xf32, #tpu.memory_space<hbm>>
        %dma_start3A_473 = arith.constant 0 : i32
        %dma_start3A_474 = arith.constant 0 : i32
        %dma_start3A_475 = tpu.memref_slice %arg6[%run_scoped3A_360, %dma_start3A_473, %dma_start3A_474] : memref<8x128x64xf32, #tpu.memory_space<vmem>> -> memref<1x128x64xf32, #tpu.memory_space<vmem>>
        %dma_start3A_476 = tpu.memref_squeeze %dma_start3A_475 : memref<1x128x64xf32, #tpu.memory_space<vmem>> -> memref<128x64xf32, #tpu.memory_space<vmem>>
        tpu.enqueue_dma source(%dma_start3A_476 : memref<128x64xf32, #tpu.memory_space<vmem>>) target(%dma_start3A_472 : memref<128x64xf32, #tpu.memory_space<hbm>>) target_semaphore(%run_scoped3A_464 : memref<!tpu.dma_semaphore, #tpu.memory_space<semaphore_mem>>)
        %dma_wait3A_477 = arith.constant 0 : i32
        %dma_wait3A_478 = arith.constant 0 : i32
        %dma_wait3A_479 = tpu.memref_slice %arg6[%run_scoped3A_360, %dma_wait3A_477, %dma_wait3A_478] : memref<8x128x64xf32, #tpu.memory_space<vmem>> -> memref<1x128x64xf32, #tpu.memory_space<vmem>>
        %dma_wait3A_480 = tpu.memref_squeeze %dma_wait3A_479 : memref<1x128x64xf32, #tpu.memory_space<vmem>> -> memref<128x64xf32, #tpu.memory_space<vmem>>
        %dma_wait3A_481 = arith.constant 0 : i32
        %dma_wait3A_482 = tpu.memref_slice %arg4[%add3A_359, %dma_wait3A_481] : memref<819200x128xf32, #tpu.memory_space<hbm>> -> memref<128x64xf32, #tpu.memory_space<hbm>>
        %dma_wait3A_483 = arith.constant 0 : i32
        %dma_wait3A_484 = tpu.memref_slice %arg4[%add3A_359, %dma_wait3A_483] : memref<819200x128xf32, #tpu.memory_space<hbm>> -> memref<128x64xf32, #tpu.memory_space<hbm>>
        %dma_wait3A_485 = arith.constant 0 : i32
        %dma_wait3A_486 = arith.constant 0 : i32
        %dma_wait3A_487 = tpu.memref_slice %arg6[%run_scoped3A_360, %dma_wait3A_485, %dma_wait3A_486] : memref<8x128x64xf32, #tpu.memory_space<vmem>> -> memref<1x128x64xf32, #tpu.memory_space<vmem>>
        %dma_wait3A_488 = tpu.memref_squeeze %dma_wait3A_487 : memref<1x128x64xf32, #tpu.memory_space<vmem>> -> memref<128x64xf32, #tpu.memory_space<vmem>>
        tpu.wait_dma2 semaphore(%run_scoped3A_464 : memref<!tpu.dma_semaphore, #tpu.memory_space<semaphore_mem>>) src(%dma_wait3A_488 : memref<128x64xf32, #tpu.memory_space<vmem>>) dst(%dma_wait3A_484 : memref<128x64xf32, #tpu.memory_space<hbm>>)
        tpu.yield
      }) : () -> ()
      %add3A_361 = arith.constant 8 : i32
      %add3A_362 = arith.addi %add3A_345, %add3A_361 : i32
      %dma_start3A_363 = arith.constant 4 : i32
      %dma_start3A_364 = arith.constant 0 : i32
      %dma_start3A_365 = arith.constant 0 : i32
      %dma_start3A_366 = tpu.memref_slice %arg6[%dma_start3A_363, %dma_start3A_364, %dma_start3A_365] : memref<8x128x64xf32, #tpu.memory_space<vmem>> -> memref<1x128x64xf32, #tpu.memory_space<vmem>>
      %dma_start3A_367 = tpu.memref_squeeze %dma_start3A_366 : memref<1x128x64xf32, #tpu.memory_space<vmem>> -> memref<128x64xf32, #tpu.memory_space<vmem>>
      %dma_start3A_368 = arith.constant 0 : i32
      %dma_start3A_369 = tpu.memref_slice %arg5[%add3A_362, %dma_start3A_368] : memref<200x128xi32, #tpu.memory_space<vmem>> -> memref<1x128xi32, #tpu.memory_space<vmem>>
      %dma_start3A_370 = tpu.memref_squeeze %dma_start3A_369 : memref<1x128xi32, #tpu.memory_space<vmem>> -> memref<128xi32, #tpu.memory_space<vmem>>
      %dma_start3A_371 = arith.constant 0 : i32
      %dma_start3A_372 = arith.constant 0 : i32
      %dma_start3A_373 = tpu.memref_slice %arg2[%dma_start3A_371, %dma_start3A_372] : memref<2000000x64xf32, #tpu.memory_space<hbm>> -> memref<2000000x64xf32, #tpu.memory_space<hbm>>
      tpu.enqueue_indirect_dma source(%dma_start3A_373 : memref<2000000x64xf32, #tpu.memory_space<hbm>>) target(%dma_start3A_367 : memref<128x64xf32, #tpu.memory_space<vmem>>) offsets(%dma_start3A_370 : memref<128xi32, #tpu.memory_space<vmem>>) semaphore(%arg11 : memref<!tpu.dma_semaphore, #tpu.memory_space<semaphore_mem>>)
      %add3A_374 = arith.constant 5 : i32
      %add3A_375 = arith.addi %mul3A_223, %add3A_374 : i32
      %dma_wait3A_376 = arith.constant 5 : i32
      %dma_wait3A_377 = arith.constant 0 : i32
      %dma_wait3A_378 = arith.constant 0 : i32
      %dma_wait3A_379 = tpu.memref_slice %arg6[%dma_wait3A_376, %dma_wait3A_377, %dma_wait3A_378] : memref<8x128x64xf32, #tpu.memory_space<vmem>> -> memref<1x128x64xf32, #tpu.memory_space<vmem>>
      %dma_wait3A_380 = tpu.memref_squeeze %dma_wait3A_379 : memref<1x128x64xf32, #tpu.memory_space<vmem>> -> memref<128x64xf32, #tpu.memory_space<vmem>>
      %dma_wait3A_381 = arith.constant 0 : i32
      %dma_wait3A_382 = tpu.memref_slice %arg5[%add3A_375, %dma_wait3A_381] : memref<200x128xi32, #tpu.memory_space<vmem>> -> memref<1x128xi32, #tpu.memory_space<vmem>>
      %dma_wait3A_383 = tpu.memref_squeeze %dma_wait3A_382 : memref<1x128xi32, #tpu.memory_space<vmem>> -> memref<128xi32, #tpu.memory_space<vmem>>
      %dma_wait3A_384 = arith.constant 0 : i32
      %dma_wait3A_385 = arith.constant 0 : i32
      %dma_wait3A_386 = tpu.memref_slice %arg2[%dma_wait3A_384, %dma_wait3A_385] : memref<2000000x64xf32, #tpu.memory_space<hbm>> -> memref<2000000x64xf32, #tpu.memory_space<hbm>>
      tpu.wait_indirect_dma semaphore(%arg12 : memref<!tpu.dma_semaphore, #tpu.memory_space<semaphore_mem>>) src(%dma_wait3A_386 : memref<2000000x64xf32, #tpu.memory_space<hbm>>) dst(%dma_wait3A_380 : memref<128x64xf32, #tpu.memory_space<vmem>>)
      %mul3A_387 = arith.constant 128 : i32
      %mul3A_388 = arith.muli %add3A_375, %mul3A_387 : i32
      %add3A_389 = arith.addi %mul3A_2, %mul3A_388 : i32
      %run_scoped3A_390 = arith.constant 5 : i32
      "tpu.region"() ({
        %run_scoped3A_464 = tpu.sem_alloc : memref<!tpu.dma_semaphore, #tpu.memory_space<semaphore_mem>>
        %dma_start3A_465 = arith.constant 0 : i32
        %dma_start3A_466 = arith.constant 0 : i32
        %dma_start3A_467 = tpu.memref_slice %arg6[%run_scoped3A_390, %dma_start3A_465, %dma_start3A_466] : memref<8x128x64xf32, #tpu.memory_space<vmem>> -> memref<1x128x64xf32, #tpu.memory_space<vmem>>
        %dma_start3A_468 = tpu.memref_squeeze %dma_start3A_467 : memref<1x128x64xf32, #tpu.memory_space<vmem>> -> memref<128x64xf32, #tpu.memory_space<vmem>>
        %dma_start3A_469 = arith.constant 0 : i32
        %dma_start3A_470 = tpu.memref_slice %arg4[%add3A_389, %dma_start3A_469] : memref<819200x128xf32, #tpu.memory_space<hbm>> -> memref<128x64xf32, #tpu.memory_space<hbm>>
        %dma_start3A_471 = arith.constant 0 : i32
        %dma_start3A_472 = tpu.memref_slice %arg4[%add3A_389, %dma_start3A_471] : memref<819200x128xf32, #tpu.memory_space<hbm>> -> memref<128x64xf32, #tpu.memory_space<hbm>>
        %dma_start3A_473 = arith.constant 0 : i32
        %dma_start3A_474 = arith.constant 0 : i32
        %dma_start3A_475 = tpu.memref_slice %arg6[%run_scoped3A_390, %dma_start3A_473, %dma_start3A_474] : memref<8x128x64xf32, #tpu.memory_space<vmem>> -> memref<1x128x64xf32, #tpu.memory_space<vmem>>
        %dma_start3A_476 = tpu.memref_squeeze %dma_start3A_475 : memref<1x128x64xf32, #tpu.memory_space<vmem>> -> memref<128x64xf32, #tpu.memory_space<vmem>>
        tpu.enqueue_dma source(%dma_start3A_476 : memref<128x64xf32, #tpu.memory_space<vmem>>) target(%dma_start3A_472 : memref<128x64xf32, #tpu.memory_space<hbm>>) target_semaphore(%run_scoped3A_464 : memref<!tpu.dma_semaphore, #tpu.memory_space<semaphore_mem>>)
        %dma_wait3A_477 = arith.constant 0 : i32
        %dma_wait3A_478 = arith.constant 0 : i32
        %dma_wait3A_479 = tpu.memref_slice %arg6[%run_scoped3A_390, %dma_wait3A_477, %dma_wait3A_478] : memref<8x128x64xf32, #tpu.memory_space<vmem>> -> memref<1x128x64xf32, #tpu.memory_space<vmem>>
        %dma_wait3A_480 = tpu.memref_squeeze %dma_wait3A_479 : memref<1x128x64xf32, #tpu.memory_space<vmem>> -> memref<128x64xf32, #tpu.memory_space<vmem>>
        %dma_wait3A_481 = arith.constant 0 : i32
        %dma_wait3A_482 = tpu.memref_slice %arg4[%add3A_389, %dma_wait3A_481] : memref<819200x128xf32, #tpu.memory_space<hbm>> -> memref<128x64xf32, #tpu.memory_space<hbm>>
        %dma_wait3A_483 = arith.constant 0 : i32
        %dma_wait3A_484 = tpu.memref_slice %arg4[%add3A_389, %dma_wait3A_483] : memref<819200x128xf32, #tpu.memory_space<hbm>> -> memref<128x64xf32, #tpu.memory_space<hbm>>
        %dma_wait3A_485 = arith.constant 0 : i32
        %dma_wait3A_486 = arith.constant 0 : i32
        %dma_wait3A_487 = tpu.memref_slice %arg6[%run_scoped3A_390, %dma_wait3A_485, %dma_wait3A_486] : memref<8x128x64xf32, #tpu.memory_space<vmem>> -> memref<1x128x64xf32, #tpu.memory_space<vmem>>
        %dma_wait3A_488 = tpu.memref_squeeze %dma_wait3A_487 : memref<1x128x64xf32, #tpu.memory_space<vmem>> -> memref<128x64xf32, #tpu.memory_space<vmem>>
        tpu.wait_dma2 semaphore(%run_scoped3A_464 : memref<!tpu.dma_semaphore, #tpu.memory_space<semaphore_mem>>) src(%dma_wait3A_488 : memref<128x64xf32, #tpu.memory_space<vmem>>) dst(%dma_wait3A_484 : memref<128x64xf32, #tpu.memory_space<hbm>>)
        tpu.yield
      }) : () -> ()
      %add3A_391 = arith.constant 8 : i32
      %add3A_392 = arith.addi %add3A_375, %add3A_391 : i32
      %dma_start3A_393 = arith.constant 5 : i32
      %dma_start3A_394 = arith.constant 0 : i32
      %dma_start3A_395 = arith.constant 0 : i32
      %dma_start3A_396 = tpu.memref_slice %arg6[%dma_start3A_393, %dma_start3A_394, %dma_start3A_395] : memref<8x128x64xf32, #tpu.memory_space<vmem>> -> memref<1x128x64xf32, #tpu.memory_space<vmem>>
      %dma_start3A_397 = tpu.memref_squeeze %dma_start3A_396 : memref<1x128x64xf32, #tpu.memory_space<vmem>> -> memref<128x64xf32, #tpu.memory_space<vmem>>
      %dma_start3A_398 = arith.constant 0 : i32
      %dma_start3A_399 = tpu.memref_slice %arg5[%add3A_392, %dma_start3A_398] : memref<200x128xi32, #tpu.memory_space<vmem>> -> memref<1x128xi32, #tpu.memory_space<vmem>>
      %dma_start3A_400 = tpu.memref_squeeze %dma_start3A_399 : memref<1x128xi32, #tpu.memory_space<vmem>> -> memref<128xi32, #tpu.memory_space<vmem>>
      %dma_start3A_401 = arith.constant 0 : i32
      %dma_start3A_402 = arith.constant 0 : i32
      %dma_start3A_403 = tpu.memref_slice %arg2[%dma_start3A_401, %dma_start3A_402] : memref<2000000x64xf32, #tpu.memory_space<hbm>> -> memref<2000000x64xf32, #tpu.memory_space<hbm>>
      tpu.enqueue_indirect_dma source(%dma_start3A_403 : memref<2000000x64xf32, #tpu.memory_space<hbm>>) target(%dma_start3A_397 : memref<128x64xf32, #tpu.memory_space<vmem>>) offsets(%dma_start3A_400 : memref<128xi32, #tpu.memory_space<vmem>>) semaphore(%arg12 : memref<!tpu.dma_semaphore, #tpu.memory_space<semaphore_mem>>)
      %add3A_404 = arith.constant 6 : i32
      %add3A_405 = arith.addi %mul3A_223, %add3A_404 : i32
      %dma_wait3A_406 = arith.constant 6 : i32
      %dma_wait3A_407 = arith.constant 0 : i32
      %dma_wait3A_408 = arith.constant 0 : i32
      %dma_wait3A_409 = tpu.memref_slice %arg6[%dma_wait3A_406, %dma_wait3A_407, %dma_wait3A_408] : memref<8x128x64xf32, #tpu.memory_space<vmem>> -> memref<1x128x64xf32, #tpu.memory_space<vmem>>
      %dma_wait3A_410 = tpu.memref_squeeze %dma_wait3A_409 : memref<1x128x64xf32, #tpu.memory_space<vmem>> -> memref<128x64xf32, #tpu.memory_space<vmem>>
      %dma_wait3A_411 = arith.constant 0 : i32
      %dma_wait3A_412 = tpu.memref_slice %arg5[%add3A_405, %dma_wait3A_411] : memref<200x128xi32, #tpu.memory_space<vmem>> -> memref<1x128xi32, #tpu.memory_space<vmem>>
      %dma_wait3A_413 = tpu.memref_squeeze %dma_wait3A_412 : memref<1x128xi32, #tpu.memory_space<vmem>> -> memref<128xi32, #tpu.memory_space<vmem>>
      %dma_wait3A_414 = arith.constant 0 : i32
      %dma_wait3A_415 = arith.constant 0 : i32
      %dma_wait3A_416 = tpu.memref_slice %arg2[%dma_wait3A_414, %dma_wait3A_415] : memref<2000000x64xf32, #tpu.memory_space<hbm>> -> memref<2000000x64xf32, #tpu.memory_space<hbm>>
      tpu.wait_indirect_dma semaphore(%arg13 : memref<!tpu.dma_semaphore, #tpu.memory_space<semaphore_mem>>) src(%dma_wait3A_416 : memref<2000000x64xf32, #tpu.memory_space<hbm>>) dst(%dma_wait3A_410 : memref<128x64xf32, #tpu.memory_space<vmem>>)
      %mul3A_417 = arith.constant 128 : i32
      %mul3A_418 = arith.muli %add3A_405, %mul3A_417 : i32
      %add3A_419 = arith.addi %mul3A_2, %mul3A_418 : i32
      %run_scoped3A_420 = arith.constant 6 : i32
      "tpu.region"() ({
        %run_scoped3A_464 = tpu.sem_alloc : memref<!tpu.dma_semaphore, #tpu.memory_space<semaphore_mem>>
        %dma_start3A_465 = arith.constant 0 : i32
        %dma_start3A_466 = arith.constant 0 : i32
        %dma_start3A_467 = tpu.memref_slice %arg6[%run_scoped3A_420, %dma_start3A_465, %dma_start3A_466] : memref<8x128x64xf32, #tpu.memory_space<vmem>> -> memref<1x128x64xf32, #tpu.memory_space<vmem>>
        %dma_start3A_468 = tpu.memref_squeeze %dma_start3A_467 : memref<1x128x64xf32, #tpu.memory_space<vmem>> -> memref<128x64xf32, #tpu.memory_space<vmem>>
        %dma_start3A_469 = arith.constant 0 : i32
        %dma_start3A_470 = tpu.memref_slice %arg4[%add3A_419, %dma_start3A_469] : memref<819200x128xf32, #tpu.memory_space<hbm>> -> memref<128x64xf32, #tpu.memory_space<hbm>>
        %dma_start3A_471 = arith.constant 0 : i32
        %dma_start3A_472 = tpu.memref_slice %arg4[%add3A_419, %dma_start3A_471] : memref<819200x128xf32, #tpu.memory_space<hbm>> -> memref<128x64xf32, #tpu.memory_space<hbm>>
        %dma_start3A_473 = arith.constant 0 : i32
        %dma_start3A_474 = arith.constant 0 : i32
        %dma_start3A_475 = tpu.memref_slice %arg6[%run_scoped3A_420, %dma_start3A_473, %dma_start3A_474] : memref<8x128x64xf32, #tpu.memory_space<vmem>> -> memref<1x128x64xf32, #tpu.memory_space<vmem>>
        %dma_start3A_476 = tpu.memref_squeeze %dma_start3A_475 : memref<1x128x64xf32, #tpu.memory_space<vmem>> -> memref<128x64xf32, #tpu.memory_space<vmem>>
        tpu.enqueue_dma source(%dma_start3A_476 : memref<128x64xf32, #tpu.memory_space<vmem>>) target(%dma_start3A_472 : memref<128x64xf32, #tpu.memory_space<hbm>>) target_semaphore(%run_scoped3A_464 : memref<!tpu.dma_semaphore, #tpu.memory_space<semaphore_mem>>)
        %dma_wait3A_477 = arith.constant 0 : i32
        %dma_wait3A_478 = arith.constant 0 : i32
        %dma_wait3A_479 = tpu.memref_slice %arg6[%run_scoped3A_420, %dma_wait3A_477, %dma_wait3A_478] : memref<8x128x64xf32, #tpu.memory_space<vmem>> -> memref<1x128x64xf32, #tpu.memory_space<vmem>>
        %dma_wait3A_480 = tpu.memref_squeeze %dma_wait3A_479 : memref<1x128x64xf32, #tpu.memory_space<vmem>> -> memref<128x64xf32, #tpu.memory_space<vmem>>
        %dma_wait3A_481 = arith.constant 0 : i32
        %dma_wait3A_482 = tpu.memref_slice %arg4[%add3A_419, %dma_wait3A_481] : memref<819200x128xf32, #tpu.memory_space<hbm>> -> memref<128x64xf32, #tpu.memory_space<hbm>>
        %dma_wait3A_483 = arith.constant 0 : i32
        %dma_wait3A_484 = tpu.memref_slice %arg4[%add3A_419, %dma_wait3A_483] : memref<819200x128xf32, #tpu.memory_space<hbm>> -> memref<128x64xf32, #tpu.memory_space<hbm>>
        %dma_wait3A_485 = arith.constant 0 : i32
        %dma_wait3A_486 = arith.constant 0 : i32
        %dma_wait3A_487 = tpu.memref_slice %arg6[%run_scoped3A_420, %dma_wait3A_485, %dma_wait3A_486] : memref<8x128x64xf32, #tpu.memory_space<vmem>> -> memref<1x128x64xf32, #tpu.memory_space<vmem>>
        %dma_wait3A_488 = tpu.memref_squeeze %dma_wait3A_487 : memref<1x128x64xf32, #tpu.memory_space<vmem>> -> memref<128x64xf32, #tpu.memory_space<vmem>>
        tpu.wait_dma2 semaphore(%run_scoped3A_464 : memref<!tpu.dma_semaphore, #tpu.memory_space<semaphore_mem>>) src(%dma_wait3A_488 : memref<128x64xf32, #tpu.memory_space<vmem>>) dst(%dma_wait3A_484 : memref<128x64xf32, #tpu.memory_space<hbm>>)
        tpu.yield
      }) : () -> ()
      %add3A_421 = arith.constant 8 : i32
      %add3A_422 = arith.addi %add3A_405, %add3A_421 : i32
      %dma_start3A_423 = arith.constant 6 : i32
      %dma_start3A_424 = arith.constant 0 : i32
      %dma_start3A_425 = arith.constant 0 : i32
      %dma_start3A_426 = tpu.memref_slice %arg6[%dma_start3A_423, %dma_start3A_424, %dma_start3A_425] : memref<8x128x64xf32, #tpu.memory_space<vmem>> -> memref<1x128x64xf32, #tpu.memory_space<vmem>>
      %dma_start3A_427 = tpu.memref_squeeze %dma_start3A_426 : memref<1x128x64xf32, #tpu.memory_space<vmem>> -> memref<128x64xf32, #tpu.memory_space<vmem>>
      %dma_start3A_428 = arith.constant 0 : i32
      %dma_start3A_429 = tpu.memref_slice %arg5[%add3A_422, %dma_start3A_428] : memref<200x128xi32, #tpu.memory_space<vmem>> -> memref<1x128xi32, #tpu.memory_space<vmem>>
      %dma_start3A_430 = tpu.memref_squeeze %dma_start3A_429 : memref<1x128xi32, #tpu.memory_space<vmem>> -> memref<128xi32, #tpu.memory_space<vmem>>
      %dma_start3A_431 = arith.constant 0 : i32
      %dma_start3A_432 = arith.constant 0 : i32
      %dma_start3A_433 = tpu.memref_slice %arg2[%dma_start3A_431, %dma_start3A_432] : memref<2000000x64xf32, #tpu.memory_space<hbm>> -> memref<2000000x64xf32, #tpu.memory_space<hbm>>
      tpu.enqueue_indirect_dma source(%dma_start3A_433 : memref<2000000x64xf32, #tpu.memory_space<hbm>>) target(%dma_start3A_427 : memref<128x64xf32, #tpu.memory_space<vmem>>) offsets(%dma_start3A_430 : memref<128xi32, #tpu.memory_space<vmem>>) semaphore(%arg13 : memref<!tpu.dma_semaphore, #tpu.memory_space<semaphore_mem>>)
      %add3A_434 = arith.constant 7 : i32
      %add3A_435 = arith.addi %mul3A_223, %add3A_434 : i32
      %dma_wait3A_436 = arith.constant 7 : i32
      %dma_wait3A_437 = arith.constant 0 : i32
      %dma_wait3A_438 = arith.constant 0 : i32
      %dma_wait3A_439 = tpu.memref_slice %arg6[%dma_wait3A_436, %dma_wait3A_437, %dma_wait3A_438] : memref<8x128x64xf32, #tpu.memory_space<vmem>> -> memref<1x128x64xf32, #tpu.memory_space<vmem>>
      %dma_wait3A_440 = tpu.memref_squeeze %dma_wait3A_439 : memref<1x128x64xf32, #tpu.memory_space<vmem>> -> memref<128x64xf32, #tpu.memory_space<vmem>>
      %dma_wait3A_441 = arith.constant 0 : i32
      %dma_wait3A_442 = tpu.memref_slice %arg5[%add3A_435, %dma_wait3A_441] : memref<200x128xi32, #tpu.memory_space<vmem>> -> memref<1x128xi32, #tpu.memory_space<vmem>>
      %dma_wait3A_443 = tpu.memref_squeeze %dma_wait3A_442 : memref<1x128xi32, #tpu.memory_space<vmem>> -> memref<128xi32, #tpu.memory_space<vmem>>
      %dma_wait3A_444 = arith.constant 0 : i32
      %dma_wait3A_445 = arith.constant 0 : i32
      %dma_wait3A_446 = tpu.memref_slice %arg2[%dma_wait3A_444, %dma_wait3A_445] : memref<2000000x64xf32, #tpu.memory_space<hbm>> -> memref<2000000x64xf32, #tpu.memory_space<hbm>>
      tpu.wait_indirect_dma semaphore(%arg14 : memref<!tpu.dma_semaphore, #tpu.memory_space<semaphore_mem>>) src(%dma_wait3A_446 : memref<2000000x64xf32, #tpu.memory_space<hbm>>) dst(%dma_wait3A_440 : memref<128x64xf32, #tpu.memory_space<vmem>>)
      %mul3A_447 = arith.constant 128 : i32
      %mul3A_448 = arith.muli %add3A_435, %mul3A_447 : i32
      %add3A_449 = arith.addi %mul3A_2, %mul3A_448 : i32
      %run_scoped3A_450 = arith.constant 7 : i32
      "tpu.region"() ({
        %run_scoped3A_464 = tpu.sem_alloc : memref<!tpu.dma_semaphore, #tpu.memory_space<semaphore_mem>>
        %dma_start3A_465 = arith.constant 0 : i32
        %dma_start3A_466 = arith.constant 0 : i32
        %dma_start3A_467 = tpu.memref_slice %arg6[%run_scoped3A_450, %dma_start3A_465, %dma_start3A_466] : memref<8x128x64xf32, #tpu.memory_space<vmem>> -> memref<1x128x64xf32, #tpu.memory_space<vmem>>
        %dma_start3A_468 = tpu.memref_squeeze %dma_start3A_467 : memref<1x128x64xf32, #tpu.memory_space<vmem>> -> memref<128x64xf32, #tpu.memory_space<vmem>>
        %dma_start3A_469 = arith.constant 0 : i32
        %dma_start3A_470 = tpu.memref_slice %arg4[%add3A_449, %dma_start3A_469] : memref<819200x128xf32, #tpu.memory_space<hbm>> -> memref<128x64xf32, #tpu.memory_space<hbm>>
        %dma_start3A_471 = arith.constant 0 : i32
        %dma_start3A_472 = tpu.memref_slice %arg4[%add3A_449, %dma_start3A_471] : memref<819200x128xf32, #tpu.memory_space<hbm>> -> memref<128x64xf32, #tpu.memory_space<hbm>>
        %dma_start3A_473 = arith.constant 0 : i32
        %dma_start3A_474 = arith.constant 0 : i32
        %dma_start3A_475 = tpu.memref_slice %arg6[%run_scoped3A_450, %dma_start3A_473, %dma_start3A_474] : memref<8x128x64xf32, #tpu.memory_space<vmem>> -> memref<1x128x64xf32, #tpu.memory_space<vmem>>
        %dma_start3A_476 = tpu.memref_squeeze %dma_start3A_475 : memref<1x128x64xf32, #tpu.memory_space<vmem>> -> memref<128x64xf32, #tpu.memory_space<vmem>>
        tpu.enqueue_dma source(%dma_start3A_476 : memref<128x64xf32, #tpu.memory_space<vmem>>) target(%dma_start3A_472 : memref<128x64xf32, #tpu.memory_space<hbm>>) target_semaphore(%run_scoped3A_464 : memref<!tpu.dma_semaphore, #tpu.memory_space<semaphore_mem>>)
        %dma_wait3A_477 = arith.constant 0 : i32
        %dma_wait3A_478 = arith.constant 0 : i32
        %dma_wait3A_479 = tpu.memref_slice %arg6[%run_scoped3A_450, %dma_wait3A_477, %dma_wait3A_478] : memref<8x128x64xf32, #tpu.memory_space<vmem>> -> memref<1x128x64xf32, #tpu.memory_space<vmem>>
        %dma_wait3A_480 = tpu.memref_squeeze %dma_wait3A_479 : memref<1x128x64xf32, #tpu.memory_space<vmem>> -> memref<128x64xf32, #tpu.memory_space<vmem>>
        %dma_wait3A_481 = arith.constant 0 : i32
        %dma_wait3A_482 = tpu.memref_slice %arg4[%add3A_449, %dma_wait3A_481] : memref<819200x128xf32, #tpu.memory_space<hbm>> -> memref<128x64xf32, #tpu.memory_space<hbm>>
        %dma_wait3A_483 = arith.constant 0 : i32
        %dma_wait3A_484 = tpu.memref_slice %arg4[%add3A_449, %dma_wait3A_483] : memref<819200x128xf32, #tpu.memory_space<hbm>> -> memref<128x64xf32, #tpu.memory_space<hbm>>
        %dma_wait3A_485 = arith.constant 0 : i32
        %dma_wait3A_486 = arith.constant 0 : i32
        %dma_wait3A_487 = tpu.memref_slice %arg6[%run_scoped3A_450, %dma_wait3A_485, %dma_wait3A_486] : memref<8x128x64xf32, #tpu.memory_space<vmem>> -> memref<1x128x64xf32, #tpu.memory_space<vmem>>
        %dma_wait3A_488 = tpu.memref_squeeze %dma_wait3A_487 : memref<1x128x64xf32, #tpu.memory_space<vmem>> -> memref<128x64xf32, #tpu.memory_space<vmem>>
        tpu.wait_dma2 semaphore(%run_scoped3A_464 : memref<!tpu.dma_semaphore, #tpu.memory_space<semaphore_mem>>) src(%dma_wait3A_488 : memref<128x64xf32, #tpu.memory_space<vmem>>) dst(%dma_wait3A_484 : memref<128x64xf32, #tpu.memory_space<hbm>>)
        tpu.yield
      }) : () -> ()
      %add3A_451 = arith.constant 8 : i32
      %add3A_452 = arith.addi %add3A_435, %add3A_451 : i32
      %dma_start3A_453 = arith.constant 7 : i32
      %dma_start3A_454 = arith.constant 0 : i32
      %dma_start3A_455 = arith.constant 0 : i32
      %dma_start3A_456 = tpu.memref_slice %arg6[%dma_start3A_453, %dma_start3A_454, %dma_start3A_455] : memref<8x128x64xf32, #tpu.memory_space<vmem>> -> memref<1x128x64xf32, #tpu.memory_space<vmem>>
      %dma_start3A_457 = tpu.memref_squeeze %dma_start3A_456 : memref<1x128x64xf32, #tpu.memory_space<vmem>> -> memref<128x64xf32, #tpu.memory_space<vmem>>
      %dma_start3A_458 = arith.constant 0 : i32
      %dma_start3A_459 = tpu.memref_slice %arg5[%add3A_452, %dma_start3A_458] : memref<200x128xi32, #tpu.memory_space<vmem>> -> memref<1x128xi32, #tpu.memory_space<vmem>>
      %dma_start3A_460 = tpu.memref_squeeze %dma_start3A_459 : memref<1x128xi32, #tpu.memory_space<vmem>> -> memref<128xi32, #tpu.memory_space<vmem>>
      %dma_start3A_461 = arith.constant 0 : i32
      %dma_start3A_462 = arith.constant 0 : i32
      %dma_start3A_463 = tpu.memref_slice %arg2[%dma_start3A_461, %dma_start3A_462] : memref<2000000x64xf32, #tpu.memory_space<hbm>> -> memref<2000000x64xf32, #tpu.memory_space<hbm>>
      tpu.enqueue_indirect_dma source(%dma_start3A_463 : memref<2000000x64xf32, #tpu.memory_space<hbm>>) target(%dma_start3A_457 : memref<128x64xf32, #tpu.memory_space<vmem>>) offsets(%dma_start3A_460 : memref<128xi32, #tpu.memory_space<vmem>>) semaphore(%arg14 : memref<!tpu.dma_semaphore, #tpu.memory_space<semaphore_mem>>)
    }
    %scan3A_102 = arith.constant 24 : i32
    %dma_wait3A = arith.constant 192 : i32
    %dma_wait3A_103 = arith.constant 0 : i32
    %dma_wait3A_104 = arith.constant 0 : i32
    %dma_wait3A_105 = arith.constant 0 : i32
    %dma_wait3A_106 = tpu.memref_slice %arg6[%dma_wait3A_103, %dma_wait3A_104, %dma_wait3A_105] : memref<8x128x64xf32, #tpu.memory_space<vmem>> -> memref<1x128x64xf32, #tpu.memory_space<vmem>>
    %dma_wait3A_107 = tpu.memref_squeeze %dma_wait3A_106 : memref<1x128x64xf32, #tpu.memory_space<vmem>> -> memref<128x64xf32, #tpu.memory_space<vmem>>
    %dma_wait3A_108 = arith.constant 0 : i32
    %dma_wait3A_109 = tpu.memref_slice %arg5[%dma_wait3A, %dma_wait3A_108] : memref<200x128xi32, #tpu.memory_space<vmem>> -> memref<1x128xi32, #tpu.memory_space<vmem>>
    %dma_wait3A_110 = tpu.memref_squeeze %dma_wait3A_109 : memref<1x128xi32, #tpu.memory_space<vmem>> -> memref<128xi32, #tpu.memory_space<vmem>>
    %dma_wait3A_111 = arith.constant 0 : i32
    %dma_wait3A_112 = arith.constant 0 : i32
    %dma_wait3A_113 = tpu.memref_slice %arg2[%dma_wait3A_111, %dma_wait3A_112] : memref<2000000x64xf32, #tpu.memory_space<hbm>> -> memref<2000000x64xf32, #tpu.memory_space<hbm>>
    tpu.wait_indirect_dma semaphore(%arg7 : memref<!tpu.dma_semaphore, #tpu.memory_space<semaphore_mem>>) src(%dma_wait3A_113 : memref<2000000x64xf32, #tpu.memory_space<hbm>>) dst(%dma_wait3A_107 : memref<128x64xf32, #tpu.memory_space<vmem>>)
    %add3A_114 = arith.constant 24576 : i32
    %add3A_115 = arith.addi %mul3A_2, %add3A_114 : i32
    %run_scoped3A = arith.constant 0 : i32
    "tpu.region"() ({
      %run_scoped3A_221 = tpu.sem_alloc : memref<!tpu.dma_semaphore, #tpu.memory_space<semaphore_mem>>
      %dma_start3A_222 = arith.constant 0 : i32
      %dma_start3A_223 = arith.constant 0 : i32
      %dma_start3A_224 = tpu.memref_slice %arg6[%run_scoped3A, %dma_start3A_222, %dma_start3A_223] : memref<8x128x64xf32, #tpu.memory_space<vmem>> -> memref<1x128x64xf32, #tpu.memory_space<vmem>>
      %dma_start3A_225 = tpu.memref_squeeze %dma_start3A_224 : memref<1x128x64xf32, #tpu.memory_space<vmem>> -> memref<128x64xf32, #tpu.memory_space<vmem>>
      %dma_start3A_226 = arith.constant 0 : i32
      %dma_start3A_227 = tpu.memref_slice %arg4[%add3A_115, %dma_start3A_226] : memref<819200x128xf32, #tpu.memory_space<hbm>> -> memref<128x64xf32, #tpu.memory_space<hbm>>
      %dma_start3A_228 = arith.constant 0 : i32
      %dma_start3A_229 = tpu.memref_slice %arg4[%add3A_115, %dma_start3A_228] : memref<819200x128xf32, #tpu.memory_space<hbm>> -> memref<128x64xf32, #tpu.memory_space<hbm>>
      %dma_start3A_230 = arith.constant 0 : i32
      %dma_start3A_231 = arith.constant 0 : i32
      %dma_start3A_232 = tpu.memref_slice %arg6[%run_scoped3A, %dma_start3A_230, %dma_start3A_231] : memref<8x128x64xf32, #tpu.memory_space<vmem>> -> memref<1x128x64xf32, #tpu.memory_space<vmem>>
      %dma_start3A_233 = tpu.memref_squeeze %dma_start3A_232 : memref<1x128x64xf32, #tpu.memory_space<vmem>> -> memref<128x64xf32, #tpu.memory_space<vmem>>
      tpu.enqueue_dma source(%dma_start3A_233 : memref<128x64xf32, #tpu.memory_space<vmem>>) target(%dma_start3A_229 : memref<128x64xf32, #tpu.memory_space<hbm>>) target_semaphore(%run_scoped3A_221 : memref<!tpu.dma_semaphore, #tpu.memory_space<semaphore_mem>>)
      %dma_wait3A_234 = arith.constant 0 : i32
      %dma_wait3A_235 = arith.constant 0 : i32
      %dma_wait3A_236 = tpu.memref_slice %arg6[%run_scoped3A, %dma_wait3A_234, %dma_wait3A_235] : memref<8x128x64xf32, #tpu.memory_space<vmem>> -> memref<1x128x64xf32, #tpu.memory_space<vmem>>
      %dma_wait3A_237 = tpu.memref_squeeze %dma_wait3A_236 : memref<1x128x64xf32, #tpu.memory_space<vmem>> -> memref<128x64xf32, #tpu.memory_space<vmem>>
      %dma_wait3A_238 = arith.constant 0 : i32
      %dma_wait3A_239 = tpu.memref_slice %arg4[%add3A_115, %dma_wait3A_238] : memref<819200x128xf32, #tpu.memory_space<hbm>> -> memref<128x64xf32, #tpu.memory_space<hbm>>
      %dma_wait3A_240 = arith.constant 0 : i32
      %dma_wait3A_241 = tpu.memref_slice %arg4[%add3A_115, %dma_wait3A_240] : memref<819200x128xf32, #tpu.memory_space<hbm>> -> memref<128x64xf32, #tpu.memory_space<hbm>>
      %dma_wait3A_242 = arith.constant 0 : i32
      %dma_wait3A_243 = arith.constant 0 : i32
      %dma_wait3A_244 = tpu.memref_slice %arg6[%run_scoped3A, %dma_wait3A_242, %dma_wait3A_243] : memref<8x128x64xf32, #tpu.memory_space<vmem>> -> memref<1x128x64xf32, #tpu.memory_space<vmem>>
      %dma_wait3A_245 = tpu.memref_squeeze %dma_wait3A_244 : memref<1x128x64xf32, #tpu.memory_space<vmem>> -> memref<128x64xf32, #tpu.memory_space<vmem>>
      tpu.wait_dma2 semaphore(%run_scoped3A_221 : memref<!tpu.dma_semaphore, #tpu.memory_space<semaphore_mem>>) src(%dma_wait3A_245 : memref<128x64xf32, #tpu.memory_space<vmem>>) dst(%dma_wait3A_241 : memref<128x64xf32, #tpu.memory_space<hbm>>)
      tpu.yield
    }) : () -> ()
    %dma_wait3A_116 = arith.constant 193 : i32
    %dma_wait3A_117 = arith.constant 1 : i32
    %dma_wait3A_118 = arith.constant 0 : i32
    %dma_wait3A_119 = arith.constant 0 : i32
    %dma_wait3A_120 = tpu.memref_slice %arg6[%dma_wait3A_117, %dma_wait3A_118, %dma_wait3A_119] : memref<8x128x64xf32, #tpu.memory_space<vmem>> -> memref<1x128x64xf32, #tpu.memory_space<vmem>>
    %dma_wait3A_121 = tpu.memref_squeeze %dma_wait3A_120 : memref<1x128x64xf32, #tpu.memory_space<vmem>> -> memref<128x64xf32, #tpu.memory_space<vmem>>
    %dma_wait3A_122 = arith.constant 0 : i32
    %dma_wait3A_123 = tpu.memref_slice %arg5[%dma_wait3A_116, %dma_wait3A_122] : memref<200x128xi32, #tpu.memory_space<vmem>> -> memref<1x128xi32, #tpu.memory_space<vmem>>
    %dma_wait3A_124 = tpu.memref_squeeze %dma_wait3A_123 : memref<1x128xi32, #tpu.memory_space<vmem>> -> memref<128xi32, #tpu.memory_space<vmem>>
    %dma_wait3A_125 = arith.constant 0 : i32
    %dma_wait3A_126 = arith.constant 0 : i32
    %dma_wait3A_127 = tpu.memref_slice %arg2[%dma_wait3A_125, %dma_wait3A_126] : memref<2000000x64xf32, #tpu.memory_space<hbm>> -> memref<2000000x64xf32, #tpu.memory_space<hbm>>
    tpu.wait_indirect_dma semaphore(%arg8 : memref<!tpu.dma_semaphore, #tpu.memory_space<semaphore_mem>>) src(%dma_wait3A_127 : memref<2000000x64xf32, #tpu.memory_space<hbm>>) dst(%dma_wait3A_121 : memref<128x64xf32, #tpu.memory_space<vmem>>)
    %add3A_128 = arith.constant 24704 : i32
    %add3A_129 = arith.addi %mul3A_2, %add3A_128 : i32
    %run_scoped3A_130 = arith.constant 1 : i32
    "tpu.region"() ({
      %run_scoped3A_221 = tpu.sem_alloc : memref<!tpu.dma_semaphore, #tpu.memory_space<semaphore_mem>>
      %dma_start3A_222 = arith.constant 0 : i32
      %dma_start3A_223 = arith.constant 0 : i32
      %dma_start3A_224 = tpu.memref_slice %arg6[%run_scoped3A_130, %dma_start3A_222, %dma_start3A_223] : memref<8x128x64xf32, #tpu.memory_space<vmem>> -> memref<1x128x64xf32, #tpu.memory_space<vmem>>
      %dma_start3A_225 = tpu.memref_squeeze %dma_start3A_224 : memref<1x128x64xf32, #tpu.memory_space<vmem>> -> memref<128x64xf32, #tpu.memory_space<vmem>>
      %dma_start3A_226 = arith.constant 0 : i32
      %dma_start3A_227 = tpu.memref_slice %arg4[%add3A_129, %dma_start3A_226] : memref<819200x128xf32, #tpu.memory_space<hbm>> -> memref<128x64xf32, #tpu.memory_space<hbm>>
      %dma_start3A_228 = arith.constant 0 : i32
      %dma_start3A_229 = tpu.memref_slice %arg4[%add3A_129, %dma_start3A_228] : memref<819200x128xf32, #tpu.memory_space<hbm>> -> memref<128x64xf32, #tpu.memory_space<hbm>>
      %dma_start3A_230 = arith.constant 0 : i32
      %dma_start3A_231 = arith.constant 0 : i32
      %dma_start3A_232 = tpu.memref_slice %arg6[%run_scoped3A_130, %dma_start3A_230, %dma_start3A_231] : memref<8x128x64xf32, #tpu.memory_space<vmem>> -> memref<1x128x64xf32, #tpu.memory_space<vmem>>
      %dma_start3A_233 = tpu.memref_squeeze %dma_start3A_232 : memref<1x128x64xf32, #tpu.memory_space<vmem>> -> memref<128x64xf32, #tpu.memory_space<vmem>>
      tpu.enqueue_dma source(%dma_start3A_233 : memref<128x64xf32, #tpu.memory_space<vmem>>) target(%dma_start3A_229 : memref<128x64xf32, #tpu.memory_space<hbm>>) target_semaphore(%run_scoped3A_221 : memref<!tpu.dma_semaphore, #tpu.memory_space<semaphore_mem>>)
      %dma_wait3A_234 = arith.constant 0 : i32
      %dma_wait3A_235 = arith.constant 0 : i32
      %dma_wait3A_236 = tpu.memref_slice %arg6[%run_scoped3A_130, %dma_wait3A_234, %dma_wait3A_235] : memref<8x128x64xf32, #tpu.memory_space<vmem>> -> memref<1x128x64xf32, #tpu.memory_space<vmem>>
      %dma_wait3A_237 = tpu.memref_squeeze %dma_wait3A_236 : memref<1x128x64xf32, #tpu.memory_space<vmem>> -> memref<128x64xf32, #tpu.memory_space<vmem>>
      %dma_wait3A_238 = arith.constant 0 : i32
      %dma_wait3A_239 = tpu.memref_slice %arg4[%add3A_129, %dma_wait3A_238] : memref<819200x128xf32, #tpu.memory_space<hbm>> -> memref<128x64xf32, #tpu.memory_space<hbm>>
      %dma_wait3A_240 = arith.constant 0 : i32
      %dma_wait3A_241 = tpu.memref_slice %arg4[%add3A_129, %dma_wait3A_240] : memref<819200x128xf32, #tpu.memory_space<hbm>> -> memref<128x64xf32, #tpu.memory_space<hbm>>
      %dma_wait3A_242 = arith.constant 0 : i32
      %dma_wait3A_243 = arith.constant 0 : i32
      %dma_wait3A_244 = tpu.memref_slice %arg6[%run_scoped3A_130, %dma_wait3A_242, %dma_wait3A_243] : memref<8x128x64xf32, #tpu.memory_space<vmem>> -> memref<1x128x64xf32, #tpu.memory_space<vmem>>
      %dma_wait3A_245 = tpu.memref_squeeze %dma_wait3A_244 : memref<1x128x64xf32, #tpu.memory_space<vmem>> -> memref<128x64xf32, #tpu.memory_space<vmem>>
      tpu.wait_dma2 semaphore(%run_scoped3A_221 : memref<!tpu.dma_semaphore, #tpu.memory_space<semaphore_mem>>) src(%dma_wait3A_245 : memref<128x64xf32, #tpu.memory_space<vmem>>) dst(%dma_wait3A_241 : memref<128x64xf32, #tpu.memory_space<hbm>>)
      tpu.yield
    }) : () -> ()
    %dma_wait3A_131 = arith.constant 194 : i32
    %dma_wait3A_132 = arith.constant 2 : i32
    %dma_wait3A_133 = arith.constant 0 : i32
    %dma_wait3A_134 = arith.constant 0 : i32
    %dma_wait3A_135 = tpu.memref_slice %arg6[%dma_wait3A_132, %dma_wait3A_133, %dma_wait3A_134] : memref<8x128x64xf32, #tpu.memory_space<vmem>> -> memref<1x128x64xf32, #tpu.memory_space<vmem>>
    %dma_wait3A_136 = tpu.memref_squeeze %dma_wait3A_135 : memref<1x128x64xf32, #tpu.memory_space<vmem>> -> memref<128x64xf32, #tpu.memory_space<vmem>>
    %dma_wait3A_137 = arith.constant 0 : i32
    %dma_wait3A_138 = tpu.memref_slice %arg5[%dma_wait3A_131, %dma_wait3A_137] : memref<200x128xi32, #tpu.memory_space<vmem>> -> memref<1x128xi32, #tpu.memory_space<vmem>>
    %dma_wait3A_139 = tpu.memref_squeeze %dma_wait3A_138 : memref<1x128xi32, #tpu.memory_space<vmem>> -> memref<128xi32, #tpu.memory_space<vmem>>
    %dma_wait3A_140 = arith.constant 0 : i32
    %dma_wait3A_141 = arith.constant 0 : i32
    %dma_wait3A_142 = tpu.memref_slice %arg2[%dma_wait3A_140, %dma_wait3A_141] : memref<2000000x64xf32, #tpu.memory_space<hbm>> -> memref<2000000x64xf32, #tpu.memory_space<hbm>>
    tpu.wait_indirect_dma semaphore(%arg9 : memref<!tpu.dma_semaphore, #tpu.memory_space<semaphore_mem>>) src(%dma_wait3A_142 : memref<2000000x64xf32, #tpu.memory_space<hbm>>) dst(%dma_wait3A_136 : memref<128x64xf32, #tpu.memory_space<vmem>>)
    %add3A_143 = arith.constant 24832 : i32
    %add3A_144 = arith.addi %mul3A_2, %add3A_143 : i32
    %run_scoped3A_145 = arith.constant 2 : i32
    "tpu.region"() ({
      %run_scoped3A_221 = tpu.sem_alloc : memref<!tpu.dma_semaphore, #tpu.memory_space<semaphore_mem>>
      %dma_start3A_222 = arith.constant 0 : i32
      %dma_start3A_223 = arith.constant 0 : i32
      %dma_start3A_224 = tpu.memref_slice %arg6[%run_scoped3A_145, %dma_start3A_222, %dma_start3A_223] : memref<8x128x64xf32, #tpu.memory_space<vmem>> -> memref<1x128x64xf32, #tpu.memory_space<vmem>>
      %dma_start3A_225 = tpu.memref_squeeze %dma_start3A_224 : memref<1x128x64xf32, #tpu.memory_space<vmem>> -> memref<128x64xf32, #tpu.memory_space<vmem>>
      %dma_start3A_226 = arith.constant 0 : i32
      %dma_start3A_227 = tpu.memref_slice %arg4[%add3A_144, %dma_start3A_226] : memref<819200x128xf32, #tpu.memory_space<hbm>> -> memref<128x64xf32, #tpu.memory_space<hbm>>
      %dma_start3A_228 = arith.constant 0 : i32
      %dma_start3A_229 = tpu.memref_slice %arg4[%add3A_144, %dma_start3A_228] : memref<819200x128xf32, #tpu.memory_space<hbm>> -> memref<128x64xf32, #tpu.memory_space<hbm>>
      %dma_start3A_230 = arith.constant 0 : i32
      %dma_start3A_231 = arith.constant 0 : i32
      %dma_start3A_232 = tpu.memref_slice %arg6[%run_scoped3A_145, %dma_start3A_230, %dma_start3A_231] : memref<8x128x64xf32, #tpu.memory_space<vmem>> -> memref<1x128x64xf32, #tpu.memory_space<vmem>>
      %dma_start3A_233 = tpu.memref_squeeze %dma_start3A_232 : memref<1x128x64xf32, #tpu.memory_space<vmem>> -> memref<128x64xf32, #tpu.memory_space<vmem>>
      tpu.enqueue_dma source(%dma_start3A_233 : memref<128x64xf32, #tpu.memory_space<vmem>>) target(%dma_start3A_229 : memref<128x64xf32, #tpu.memory_space<hbm>>) target_semaphore(%run_scoped3A_221 : memref<!tpu.dma_semaphore, #tpu.memory_space<semaphore_mem>>)
      %dma_wait3A_234 = arith.constant 0 : i32
      %dma_wait3A_235 = arith.constant 0 : i32
      %dma_wait3A_236 = tpu.memref_slice %arg6[%run_scoped3A_145, %dma_wait3A_234, %dma_wait3A_235] : memref<8x128x64xf32, #tpu.memory_space<vmem>> -> memref<1x128x64xf32, #tpu.memory_space<vmem>>
      %dma_wait3A_237 = tpu.memref_squeeze %dma_wait3A_236 : memref<1x128x64xf32, #tpu.memory_space<vmem>> -> memref<128x64xf32, #tpu.memory_space<vmem>>
      %dma_wait3A_238 = arith.constant 0 : i32
      %dma_wait3A_239 = tpu.memref_slice %arg4[%add3A_144, %dma_wait3A_238] : memref<819200x128xf32, #tpu.memory_space<hbm>> -> memref<128x64xf32, #tpu.memory_space<hbm>>
      %dma_wait3A_240 = arith.constant 0 : i32
      %dma_wait3A_241 = tpu.memref_slice %arg4[%add3A_144, %dma_wait3A_240] : memref<819200x128xf32, #tpu.memory_space<hbm>> -> memref<128x64xf32, #tpu.memory_space<hbm>>
      %dma_wait3A_242 = arith.constant 0 : i32
      %dma_wait3A_243 = arith.constant 0 : i32
      %dma_wait3A_244 = tpu.memref_slice %arg6[%run_scoped3A_145, %dma_wait3A_242, %dma_wait3A_243] : memref<8x128x64xf32, #tpu.memory_space<vmem>> -> memref<1x128x64xf32, #tpu.memory_space<vmem>>
      %dma_wait3A_245 = tpu.memref_squeeze %dma_wait3A_244 : memref<1x128x64xf32, #tpu.memory_space<vmem>> -> memref<128x64xf32, #tpu.memory_space<vmem>>
      tpu.wait_dma2 semaphore(%run_scoped3A_221 : memref<!tpu.dma_semaphore, #tpu.memory_space<semaphore_mem>>) src(%dma_wait3A_245 : memref<128x64xf32, #tpu.memory_space<vmem>>) dst(%dma_wait3A_241 : memref<128x64xf32, #tpu.memory_space<hbm>>)
      tpu.yield
    }) : () -> ()
    %dma_wait3A_146 = arith.constant 195 : i32
    %dma_wait3A_147 = arith.constant 3 : i32
    %dma_wait3A_148 = arith.constant 0 : i32
    %dma_wait3A_149 = arith.constant 0 : i32
    %dma_wait3A_150 = tpu.memref_slice %arg6[%dma_wait3A_147, %dma_wait3A_148, %dma_wait3A_149] : memref<8x128x64xf32, #tpu.memory_space<vmem>> -> memref<1x128x64xf32, #tpu.memory_space<vmem>>
    %dma_wait3A_151 = tpu.memref_squeeze %dma_wait3A_150 : memref<1x128x64xf32, #tpu.memory_space<vmem>> -> memref<128x64xf32, #tpu.memory_space<vmem>>
    %dma_wait3A_152 = arith.constant 0 : i32
    %dma_wait3A_153 = tpu.memref_slice %arg5[%dma_wait3A_146, %dma_wait3A_152] : memref<200x128xi32, #tpu.memory_space<vmem>> -> memref<1x128xi32, #tpu.memory_space<vmem>>
    %dma_wait3A_154 = tpu.memref_squeeze %dma_wait3A_153 : memref<1x128xi32, #tpu.memory_space<vmem>> -> memref<128xi32, #tpu.memory_space<vmem>>
    %dma_wait3A_155 = arith.constant 0 : i32
    %dma_wait3A_156 = arith.constant 0 : i32
    %dma_wait3A_157 = tpu.memref_slice %arg2[%dma_wait3A_155, %dma_wait3A_156] : memref<2000000x64xf32, #tpu.memory_space<hbm>> -> memref<2000000x64xf32, #tpu.memory_space<hbm>>
    tpu.wait_indirect_dma semaphore(%arg10 : memref<!tpu.dma_semaphore, #tpu.memory_space<semaphore_mem>>) src(%dma_wait3A_157 : memref<2000000x64xf32, #tpu.memory_space<hbm>>) dst(%dma_wait3A_151 : memref<128x64xf32, #tpu.memory_space<vmem>>)
    %add3A_158 = arith.constant 24960 : i32
    %add3A_159 = arith.addi %mul3A_2, %add3A_158 : i32
    %run_scoped3A_160 = arith.constant 3 : i32
    "tpu.region"() ({
      %run_scoped3A_221 = tpu.sem_alloc : memref<!tpu.dma_semaphore, #tpu.memory_space<semaphore_mem>>
      %dma_start3A_222 = arith.constant 0 : i32
      %dma_start3A_223 = arith.constant 0 : i32
      %dma_start3A_224 = tpu.memref_slice %arg6[%run_scoped3A_160, %dma_start3A_222, %dma_start3A_223] : memref<8x128x64xf32, #tpu.memory_space<vmem>> -> memref<1x128x64xf32, #tpu.memory_space<vmem>>
      %dma_start3A_225 = tpu.memref_squeeze %dma_start3A_224 : memref<1x128x64xf32, #tpu.memory_space<vmem>> -> memref<128x64xf32, #tpu.memory_space<vmem>>
      %dma_start3A_226 = arith.constant 0 : i32
      %dma_start3A_227 = tpu.memref_slice %arg4[%add3A_159, %dma_start3A_226] : memref<819200x128xf32, #tpu.memory_space<hbm>> -> memref<128x64xf32, #tpu.memory_space<hbm>>
      %dma_start3A_228 = arith.constant 0 : i32
      %dma_start3A_229 = tpu.memref_slice %arg4[%add3A_159, %dma_start3A_228] : memref<819200x128xf32, #tpu.memory_space<hbm>> -> memref<128x64xf32, #tpu.memory_space<hbm>>
      %dma_start3A_230 = arith.constant 0 : i32
      %dma_start3A_231 = arith.constant 0 : i32
      %dma_start3A_232 = tpu.memref_slice %arg6[%run_scoped3A_160, %dma_start3A_230, %dma_start3A_231] : memref<8x128x64xf32, #tpu.memory_space<vmem>> -> memref<1x128x64xf32, #tpu.memory_space<vmem>>
      %dma_start3A_233 = tpu.memref_squeeze %dma_start3A_232 : memref<1x128x64xf32, #tpu.memory_space<vmem>> -> memref<128x64xf32, #tpu.memory_space<vmem>>
      tpu.enqueue_dma source(%dma_start3A_233 : memref<128x64xf32, #tpu.memory_space<vmem>>) target(%dma_start3A_229 : memref<128x64xf32, #tpu.memory_space<hbm>>) target_semaphore(%run_scoped3A_221 : memref<!tpu.dma_semaphore, #tpu.memory_space<semaphore_mem>>)
      %dma_wait3A_234 = arith.constant 0 : i32
      %dma_wait3A_235 = arith.constant 0 : i32
      %dma_wait3A_236 = tpu.memref_slice %arg6[%run_scoped3A_160, %dma_wait3A_234, %dma_wait3A_235] : memref<8x128x64xf32, #tpu.memory_space<vmem>> -> memref<1x128x64xf32, #tpu.memory_space<vmem>>
      %dma_wait3A_237 = tpu.memref_squeeze %dma_wait3A_236 : memref<1x128x64xf32, #tpu.memory_space<vmem>> -> memref<128x64xf32, #tpu.memory_space<vmem>>
      %dma_wait3A_238 = arith.constant 0 : i32
      %dma_wait3A_239 = tpu.memref_slice %arg4[%add3A_159, %dma_wait3A_238] : memref<819200x128xf32, #tpu.memory_space<hbm>> -> memref<128x64xf32, #tpu.memory_space<hbm>>
      %dma_wait3A_240 = arith.constant 0 : i32
      %dma_wait3A_241 = tpu.memref_slice %arg4[%add3A_159, %dma_wait3A_240] : memref<819200x128xf32, #tpu.memory_space<hbm>> -> memref<128x64xf32, #tpu.memory_space<hbm>>
      %dma_wait3A_242 = arith.constant 0 : i32
      %dma_wait3A_243 = arith.constant 0 : i32
      %dma_wait3A_244 = tpu.memref_slice %arg6[%run_scoped3A_160, %dma_wait3A_242, %dma_wait3A_243] : memref<8x128x64xf32, #tpu.memory_space<vmem>> -> memref<1x128x64xf32, #tpu.memory_space<vmem>>
      %dma_wait3A_245 = tpu.memref_squeeze %dma_wait3A_244 : memref<1x128x64xf32, #tpu.memory_space<vmem>> -> memref<128x64xf32, #tpu.memory_space<vmem>>
      tpu.wait_dma2 semaphore(%run_scoped3A_221 : memref<!tpu.dma_semaphore, #tpu.memory_space<semaphore_mem>>) src(%dma_wait3A_245 : memref<128x64xf32, #tpu.memory_space<vmem>>) dst(%dma_wait3A_241 : memref<128x64xf32, #tpu.memory_space<hbm>>)
      tpu.yield
    }) : () -> ()
    %dma_wait3A_161 = arith.constant 196 : i32
    %dma_wait3A_162 = arith.constant 4 : i32
    %dma_wait3A_163 = arith.constant 0 : i32
    %dma_wait3A_164 = arith.constant 0 : i32
    %dma_wait3A_165 = tpu.memref_slice %arg6[%dma_wait3A_162, %dma_wait3A_163, %dma_wait3A_164] : memref<8x128x64xf32, #tpu.memory_space<vmem>> -> memref<1x128x64xf32, #tpu.memory_space<vmem>>
    %dma_wait3A_166 = tpu.memref_squeeze %dma_wait3A_165 : memref<1x128x64xf32, #tpu.memory_space<vmem>> -> memref<128x64xf32, #tpu.memory_space<vmem>>
    %dma_wait3A_167 = arith.constant 0 : i32
    %dma_wait3A_168 = tpu.memref_slice %arg5[%dma_wait3A_161, %dma_wait3A_167] : memref<200x128xi32, #tpu.memory_space<vmem>> -> memref<1x128xi32, #tpu.memory_space<vmem>>
    %dma_wait3A_169 = tpu.memref_squeeze %dma_wait3A_168 : memref<1x128xi32, #tpu.memory_space<vmem>> -> memref<128xi32, #tpu.memory_space<vmem>>
    %dma_wait3A_170 = arith.constant 0 : i32
    %dma_wait3A_171 = arith.constant 0 : i32
    %dma_wait3A_172 = tpu.memref_slice %arg2[%dma_wait3A_170, %dma_wait3A_171] : memref<2000000x64xf32, #tpu.memory_space<hbm>> -> memref<2000000x64xf32, #tpu.memory_space<hbm>>
    tpu.wait_indirect_dma semaphore(%arg11 : memref<!tpu.dma_semaphore, #tpu.memory_space<semaphore_mem>>) src(%dma_wait3A_172 : memref<2000000x64xf32, #tpu.memory_space<hbm>>) dst(%dma_wait3A_166 : memref<128x64xf32, #tpu.memory_space<vmem>>)
    %add3A_173 = arith.constant 25088 : i32
    %add3A_174 = arith.addi %mul3A_2, %add3A_173 : i32
    %run_scoped3A_175 = arith.constant 4 : i32
    "tpu.region"() ({
      %run_scoped3A_221 = tpu.sem_alloc : memref<!tpu.dma_semaphore, #tpu.memory_space<semaphore_mem>>
      %dma_start3A_222 = arith.constant 0 : i32
      %dma_start3A_223 = arith.constant 0 : i32
      %dma_start3A_224 = tpu.memref_slice %arg6[%run_scoped3A_175, %dma_start3A_222, %dma_start3A_223] : memref<8x128x64xf32, #tpu.memory_space<vmem>> -> memref<1x128x64xf32, #tpu.memory_space<vmem>>
      %dma_start3A_225 = tpu.memref_squeeze %dma_start3A_224 : memref<1x128x64xf32, #tpu.memory_space<vmem>> -> memref<128x64xf32, #tpu.memory_space<vmem>>
      %dma_start3A_226 = arith.constant 0 : i32
      %dma_start3A_227 = tpu.memref_slice %arg4[%add3A_174, %dma_start3A_226] : memref<819200x128xf32, #tpu.memory_space<hbm>> -> memref<128x64xf32, #tpu.memory_space<hbm>>
      %dma_start3A_228 = arith.constant 0 : i32
      %dma_start3A_229 = tpu.memref_slice %arg4[%add3A_174, %dma_start3A_228] : memref<819200x128xf32, #tpu.memory_space<hbm>> -> memref<128x64xf32, #tpu.memory_space<hbm>>
      %dma_start3A_230 = arith.constant 0 : i32
      %dma_start3A_231 = arith.constant 0 : i32
      %dma_start3A_232 = tpu.memref_slice %arg6[%run_scoped3A_175, %dma_start3A_230, %dma_start3A_231] : memref<8x128x64xf32, #tpu.memory_space<vmem>> -> memref<1x128x64xf32, #tpu.memory_space<vmem>>
      %dma_start3A_233 = tpu.memref_squeeze %dma_start3A_232 : memref<1x128x64xf32, #tpu.memory_space<vmem>> -> memref<128x64xf32, #tpu.memory_space<vmem>>
      tpu.enqueue_dma source(%dma_start3A_233 : memref<128x64xf32, #tpu.memory_space<vmem>>) target(%dma_start3A_229 : memref<128x64xf32, #tpu.memory_space<hbm>>) target_semaphore(%run_scoped3A_221 : memref<!tpu.dma_semaphore, #tpu.memory_space<semaphore_mem>>)
      %dma_wait3A_234 = arith.constant 0 : i32
      %dma_wait3A_235 = arith.constant 0 : i32
      %dma_wait3A_236 = tpu.memref_slice %arg6[%run_scoped3A_175, %dma_wait3A_234, %dma_wait3A_235] : memref<8x128x64xf32, #tpu.memory_space<vmem>> -> memref<1x128x64xf32, #tpu.memory_space<vmem>>
      %dma_wait3A_237 = tpu.memref_squeeze %dma_wait3A_236 : memref<1x128x64xf32, #tpu.memory_space<vmem>> -> memref<128x64xf32, #tpu.memory_space<vmem>>
      %dma_wait3A_238 = arith.constant 0 : i32
      %dma_wait3A_239 = tpu.memref_slice %arg4[%add3A_174, %dma_wait3A_238] : memref<819200x128xf32, #tpu.memory_space<hbm>> -> memref<128x64xf32, #tpu.memory_space<hbm>>
      %dma_wait3A_240 = arith.constant 0 : i32
      %dma_wait3A_241 = tpu.memref_slice %arg4[%add3A_174, %dma_wait3A_240] : memref<819200x128xf32, #tpu.memory_space<hbm>> -> memref<128x64xf32, #tpu.memory_space<hbm>>
      %dma_wait3A_242 = arith.constant 0 : i32
      %dma_wait3A_243 = arith.constant 0 : i32
      %dma_wait3A_244 = tpu.memref_slice %arg6[%run_scoped3A_175, %dma_wait3A_242, %dma_wait3A_243] : memref<8x128x64xf32, #tpu.memory_space<vmem>> -> memref<1x128x64xf32, #tpu.memory_space<vmem>>
      %dma_wait3A_245 = tpu.memref_squeeze %dma_wait3A_244 : memref<1x128x64xf32, #tpu.memory_space<vmem>> -> memref<128x64xf32, #tpu.memory_space<vmem>>
      tpu.wait_dma2 semaphore(%run_scoped3A_221 : memref<!tpu.dma_semaphore, #tpu.memory_space<semaphore_mem>>) src(%dma_wait3A_245 : memref<128x64xf32, #tpu.memory_space<vmem>>) dst(%dma_wait3A_241 : memref<128x64xf32, #tpu.memory_space<hbm>>)
      tpu.yield
    }) : () -> ()
    %dma_wait3A_176 = arith.constant 197 : i32
    %dma_wait3A_177 = arith.constant 5 : i32
    %dma_wait3A_178 = arith.constant 0 : i32
    %dma_wait3A_179 = arith.constant 0 : i32
    %dma_wait3A_180 = tpu.memref_slice %arg6[%dma_wait3A_177, %dma_wait3A_178, %dma_wait3A_179] : memref<8x128x64xf32, #tpu.memory_space<vmem>> -> memref<1x128x64xf32, #tpu.memory_space<vmem>>
    %dma_wait3A_181 = tpu.memref_squeeze %dma_wait3A_180 : memref<1x128x64xf32, #tpu.memory_space<vmem>> -> memref<128x64xf32, #tpu.memory_space<vmem>>
    %dma_wait3A_182 = arith.constant 0 : i32
    %dma_wait3A_183 = tpu.memref_slice %arg5[%dma_wait3A_176, %dma_wait3A_182] : memref<200x128xi32, #tpu.memory_space<vmem>> -> memref<1x128xi32, #tpu.memory_space<vmem>>
    %dma_wait3A_184 = tpu.memref_squeeze %dma_wait3A_183 : memref<1x128xi32, #tpu.memory_space<vmem>> -> memref<128xi32, #tpu.memory_space<vmem>>
    %dma_wait3A_185 = arith.constant 0 : i32
    %dma_wait3A_186 = arith.constant 0 : i32
    %dma_wait3A_187 = tpu.memref_slice %arg2[%dma_wait3A_185, %dma_wait3A_186] : memref<2000000x64xf32, #tpu.memory_space<hbm>> -> memref<2000000x64xf32, #tpu.memory_space<hbm>>
    tpu.wait_indirect_dma semaphore(%arg12 : memref<!tpu.dma_semaphore, #tpu.memory_space<semaphore_mem>>) src(%dma_wait3A_187 : memref<2000000x64xf32, #tpu.memory_space<hbm>>) dst(%dma_wait3A_181 : memref<128x64xf32, #tpu.memory_space<vmem>>)
    %add3A_188 = arith.constant 25216 : i32
    %add3A_189 = arith.addi %mul3A_2, %add3A_188 : i32
    %run_scoped3A_190 = arith.constant 5 : i32
    "tpu.region"() ({
      %run_scoped3A_221 = tpu.sem_alloc : memref<!tpu.dma_semaphore, #tpu.memory_space<semaphore_mem>>
      %dma_start3A_222 = arith.constant 0 : i32
      %dma_start3A_223 = arith.constant 0 : i32
      %dma_start3A_224 = tpu.memref_slice %arg6[%run_scoped3A_190, %dma_start3A_222, %dma_start3A_223] : memref<8x128x64xf32, #tpu.memory_space<vmem>> -> memref<1x128x64xf32, #tpu.memory_space<vmem>>
      %dma_start3A_225 = tpu.memref_squeeze %dma_start3A_224 : memref<1x128x64xf32, #tpu.memory_space<vmem>> -> memref<128x64xf32, #tpu.memory_space<vmem>>
      %dma_start3A_226 = arith.constant 0 : i32
      %dma_start3A_227 = tpu.memref_slice %arg4[%add3A_189, %dma_start3A_226] : memref<819200x128xf32, #tpu.memory_space<hbm>> -> memref<128x64xf32, #tpu.memory_space<hbm>>
      %dma_start3A_228 = arith.constant 0 : i32
      %dma_start3A_229 = tpu.memref_slice %arg4[%add3A_189, %dma_start3A_228] : memref<819200x128xf32, #tpu.memory_space<hbm>> -> memref<128x64xf32, #tpu.memory_space<hbm>>
      %dma_start3A_230 = arith.constant 0 : i32
      %dma_start3A_231 = arith.constant 0 : i32
      %dma_start3A_232 = tpu.memref_slice %arg6[%run_scoped3A_190, %dma_start3A_230, %dma_start3A_231] : memref<8x128x64xf32, #tpu.memory_space<vmem>> -> memref<1x128x64xf32, #tpu.memory_space<vmem>>
      %dma_start3A_233 = tpu.memref_squeeze %dma_start3A_232 : memref<1x128x64xf32, #tpu.memory_space<vmem>> -> memref<128x64xf32, #tpu.memory_space<vmem>>
      tpu.enqueue_dma source(%dma_start3A_233 : memref<128x64xf32, #tpu.memory_space<vmem>>) target(%dma_start3A_229 : memref<128x64xf32, #tpu.memory_space<hbm>>) target_semaphore(%run_scoped3A_221 : memref<!tpu.dma_semaphore, #tpu.memory_space<semaphore_mem>>)
      %dma_wait3A_234 = arith.constant 0 : i32
      %dma_wait3A_235 = arith.constant 0 : i32
      %dma_wait3A_236 = tpu.memref_slice %arg6[%run_scoped3A_190, %dma_wait3A_234, %dma_wait3A_235] : memref<8x128x64xf32, #tpu.memory_space<vmem>> -> memref<1x128x64xf32, #tpu.memory_space<vmem>>
      %dma_wait3A_237 = tpu.memref_squeeze %dma_wait3A_236 : memref<1x128x64xf32, #tpu.memory_space<vmem>> -> memref<128x64xf32, #tpu.memory_space<vmem>>
      %dma_wait3A_238 = arith.constant 0 : i32
      %dma_wait3A_239 = tpu.memref_slice %arg4[%add3A_189, %dma_wait3A_238] : memref<819200x128xf32, #tpu.memory_space<hbm>> -> memref<128x64xf32, #tpu.memory_space<hbm>>
      %dma_wait3A_240 = arith.constant 0 : i32
      %dma_wait3A_241 = tpu.memref_slice %arg4[%add3A_189, %dma_wait3A_240] : memref<819200x128xf32, #tpu.memory_space<hbm>> -> memref<128x64xf32, #tpu.memory_space<hbm>>
      %dma_wait3A_242 = arith.constant 0 : i32
      %dma_wait3A_243 = arith.constant 0 : i32
      %dma_wait3A_244 = tpu.memref_slice %arg6[%run_scoped3A_190, %dma_wait3A_242, %dma_wait3A_243] : memref<8x128x64xf32, #tpu.memory_space<vmem>> -> memref<1x128x64xf32, #tpu.memory_space<vmem>>
      %dma_wait3A_245 = tpu.memref_squeeze %dma_wait3A_244 : memref<1x128x64xf32, #tpu.memory_space<vmem>> -> memref<128x64xf32, #tpu.memory_space<vmem>>
      tpu.wait_dma2 semaphore(%run_scoped3A_221 : memref<!tpu.dma_semaphore, #tpu.memory_space<semaphore_mem>>) src(%dma_wait3A_245 : memref<128x64xf32, #tpu.memory_space<vmem>>) dst(%dma_wait3A_241 : memref<128x64xf32, #tpu.memory_space<hbm>>)
      tpu.yield
    }) : () -> ()
    %dma_wait3A_191 = arith.constant 198 : i32
    %dma_wait3A_192 = arith.constant 6 : i32
    %dma_wait3A_193 = arith.constant 0 : i32
    %dma_wait3A_194 = arith.constant 0 : i32
    %dma_wait3A_195 = tpu.memref_slice %arg6[%dma_wait3A_192, %dma_wait3A_193, %dma_wait3A_194] : memref<8x128x64xf32, #tpu.memory_space<vmem>> -> memref<1x128x64xf32, #tpu.memory_space<vmem>>
    %dma_wait3A_196 = tpu.memref_squeeze %dma_wait3A_195 : memref<1x128x64xf32, #tpu.memory_space<vmem>> -> memref<128x64xf32, #tpu.memory_space<vmem>>
    %dma_wait3A_197 = arith.constant 0 : i32
    %dma_wait3A_198 = tpu.memref_slice %arg5[%dma_wait3A_191, %dma_wait3A_197] : memref<200x128xi32, #tpu.memory_space<vmem>> -> memref<1x128xi32, #tpu.memory_space<vmem>>
    %dma_wait3A_199 = tpu.memref_squeeze %dma_wait3A_198 : memref<1x128xi32, #tpu.memory_space<vmem>> -> memref<128xi32, #tpu.memory_space<vmem>>
    %dma_wait3A_200 = arith.constant 0 : i32
    %dma_wait3A_201 = arith.constant 0 : i32
    %dma_wait3A_202 = tpu.memref_slice %arg2[%dma_wait3A_200, %dma_wait3A_201] : memref<2000000x64xf32, #tpu.memory_space<hbm>> -> memref<2000000x64xf32, #tpu.memory_space<hbm>>
    tpu.wait_indirect_dma semaphore(%arg13 : memref<!tpu.dma_semaphore, #tpu.memory_space<semaphore_mem>>) src(%dma_wait3A_202 : memref<2000000x64xf32, #tpu.memory_space<hbm>>) dst(%dma_wait3A_196 : memref<128x64xf32, #tpu.memory_space<vmem>>)
    %add3A_203 = arith.constant 25344 : i32
    %add3A_204 = arith.addi %mul3A_2, %add3A_203 : i32
    %run_scoped3A_205 = arith.constant 6 : i32
    "tpu.region"() ({
      %run_scoped3A_221 = tpu.sem_alloc : memref<!tpu.dma_semaphore, #tpu.memory_space<semaphore_mem>>
      %dma_start3A_222 = arith.constant 0 : i32
      %dma_start3A_223 = arith.constant 0 : i32
      %dma_start3A_224 = tpu.memref_slice %arg6[%run_scoped3A_205, %dma_start3A_222, %dma_start3A_223] : memref<8x128x64xf32, #tpu.memory_space<vmem>> -> memref<1x128x64xf32, #tpu.memory_space<vmem>>
      %dma_start3A_225 = tpu.memref_squeeze %dma_start3A_224 : memref<1x128x64xf32, #tpu.memory_space<vmem>> -> memref<128x64xf32, #tpu.memory_space<vmem>>
      %dma_start3A_226 = arith.constant 0 : i32
      %dma_start3A_227 = tpu.memref_slice %arg4[%add3A_204, %dma_start3A_226] : memref<819200x128xf32, #tpu.memory_space<hbm>> -> memref<128x64xf32, #tpu.memory_space<hbm>>
      %dma_start3A_228 = arith.constant 0 : i32
      %dma_start3A_229 = tpu.memref_slice %arg4[%add3A_204, %dma_start3A_228] : memref<819200x128xf32, #tpu.memory_space<hbm>> -> memref<128x64xf32, #tpu.memory_space<hbm>>
      %dma_start3A_230 = arith.constant 0 : i32
      %dma_start3A_231 = arith.constant 0 : i32
      %dma_start3A_232 = tpu.memref_slice %arg6[%run_scoped3A_205, %dma_start3A_230, %dma_start3A_231] : memref<8x128x64xf32, #tpu.memory_space<vmem>> -> memref<1x128x64xf32, #tpu.memory_space<vmem>>
      %dma_start3A_233 = tpu.memref_squeeze %dma_start3A_232 : memref<1x128x64xf32, #tpu.memory_space<vmem>> -> memref<128x64xf32, #tpu.memory_space<vmem>>
      tpu.enqueue_dma source(%dma_start3A_233 : memref<128x64xf32, #tpu.memory_space<vmem>>) target(%dma_start3A_229 : memref<128x64xf32, #tpu.memory_space<hbm>>) target_semaphore(%run_scoped3A_221 : memref<!tpu.dma_semaphore, #tpu.memory_space<semaphore_mem>>)
      %dma_wait3A_234 = arith.constant 0 : i32
      %dma_wait3A_235 = arith.constant 0 : i32
      %dma_wait3A_236 = tpu.memref_slice %arg6[%run_scoped3A_205, %dma_wait3A_234, %dma_wait3A_235] : memref<8x128x64xf32, #tpu.memory_space<vmem>> -> memref<1x128x64xf32, #tpu.memory_space<vmem>>
      %dma_wait3A_237 = tpu.memref_squeeze %dma_wait3A_236 : memref<1x128x64xf32, #tpu.memory_space<vmem>> -> memref<128x64xf32, #tpu.memory_space<vmem>>
      %dma_wait3A_238 = arith.constant 0 : i32
      %dma_wait3A_239 = tpu.memref_slice %arg4[%add3A_204, %dma_wait3A_238] : memref<819200x128xf32, #tpu.memory_space<hbm>> -> memref<128x64xf32, #tpu.memory_space<hbm>>
      %dma_wait3A_240 = arith.constant 0 : i32
      %dma_wait3A_241 = tpu.memref_slice %arg4[%add3A_204, %dma_wait3A_240] : memref<819200x128xf32, #tpu.memory_space<hbm>> -> memref<128x64xf32, #tpu.memory_space<hbm>>
      %dma_wait3A_242 = arith.constant 0 : i32
      %dma_wait3A_243 = arith.constant 0 : i32
      %dma_wait3A_244 = tpu.memref_slice %arg6[%run_scoped3A_205, %dma_wait3A_242, %dma_wait3A_243] : memref<8x128x64xf32, #tpu.memory_space<vmem>> -> memref<1x128x64xf32, #tpu.memory_space<vmem>>
      %dma_wait3A_245 = tpu.memref_squeeze %dma_wait3A_244 : memref<1x128x64xf32, #tpu.memory_space<vmem>> -> memref<128x64xf32, #tpu.memory_space<vmem>>
      tpu.wait_dma2 semaphore(%run_scoped3A_221 : memref<!tpu.dma_semaphore, #tpu.memory_space<semaphore_mem>>) src(%dma_wait3A_245 : memref<128x64xf32, #tpu.memory_space<vmem>>) dst(%dma_wait3A_241 : memref<128x64xf32, #tpu.memory_space<hbm>>)
      tpu.yield
    }) : () -> ()
    %dma_wait3A_206 = arith.constant 199 : i32
    %dma_wait3A_207 = arith.constant 7 : i32
    %dma_wait3A_208 = arith.constant 0 : i32
    %dma_wait3A_209 = arith.constant 0 : i32
    %dma_wait3A_210 = tpu.memref_slice %arg6[%dma_wait3A_207, %dma_wait3A_208, %dma_wait3A_209] : memref<8x128x64xf32, #tpu.memory_space<vmem>> -> memref<1x128x64xf32, #tpu.memory_space<vmem>>
    %dma_wait3A_211 = tpu.memref_squeeze %dma_wait3A_210 : memref<1x128x64xf32, #tpu.memory_space<vmem>> -> memref<128x64xf32, #tpu.memory_space<vmem>>
    %dma_wait3A_212 = arith.constant 0 : i32
    %dma_wait3A_213 = tpu.memref_slice %arg5[%dma_wait3A_206, %dma_wait3A_212] : memref<200x128xi32, #tpu.memory_space<vmem>> -> memref<1x128xi32, #tpu.memory_space<vmem>>
    %dma_wait3A_214 = tpu.memref_squeeze %dma_wait3A_213 : memref<1x128xi32, #tpu.memory_space<vmem>> -> memref<128xi32, #tpu.memory_space<vmem>>
    %dma_wait3A_215 = arith.constant 0 : i32
    %dma_wait3A_216 = arith.constant 0 : i32
    %dma_wait3A_217 = tpu.memref_slice %arg2[%dma_wait3A_215, %dma_wait3A_216] : memref<2000000x64xf32, #tpu.memory_space<hbm>> -> memref<2000000x64xf32, #tpu.memory_space<hbm>>
    tpu.wait_indirect_dma semaphore(%arg14 : memref<!tpu.dma_semaphore, #tpu.memory_space<semaphore_mem>>) src(%dma_wait3A_217 : memref<2000000x64xf32, #tpu.memory_space<hbm>>) dst(%dma_wait3A_211 : memref<128x64xf32, #tpu.memory_space<vmem>>)
    %add3A_218 = arith.constant 25472 : i32
    %add3A_219 = arith.addi %mul3A_2, %add3A_218 : i32
    %run_scoped3A_220 = arith.constant 7 : i32
    "tpu.region"() ({
      %run_scoped3A_221 = tpu.sem_alloc : memref<!tpu.dma_semaphore, #tpu.memory_space<semaphore_mem>>
      %dma_start3A_222 = arith.constant 0 : i32
      %dma_start3A_223 = arith.constant 0 : i32
      %dma_start3A_224 = tpu.memref_slice %arg6[%run_scoped3A_220, %dma_start3A_222, %dma_start3A_223] : memref<8x128x64xf32, #tpu.memory_space<vmem>> -> memref<1x128x64xf32, #tpu.memory_space<vmem>>
      %dma_start3A_225 = tpu.memref_squeeze %dma_start3A_224 : memref<1x128x64xf32, #tpu.memory_space<vmem>> -> memref<128x64xf32, #tpu.memory_space<vmem>>
      %dma_start3A_226 = arith.constant 0 : i32
      %dma_start3A_227 = tpu.memref_slice %arg4[%add3A_219, %dma_start3A_226] : memref<819200x128xf32, #tpu.memory_space<hbm>> -> memref<128x64xf32, #tpu.memory_space<hbm>>
      %dma_start3A_228 = arith.constant 0 : i32
      %dma_start3A_229 = tpu.memref_slice %arg4[%add3A_219, %dma_start3A_228] : memref<819200x128xf32, #tpu.memory_space<hbm>> -> memref<128x64xf32, #tpu.memory_space<hbm>>
      %dma_start3A_230 = arith.constant 0 : i32
      %dma_start3A_231 = arith.constant 0 : i32
      %dma_start3A_232 = tpu.memref_slice %arg6[%run_scoped3A_220, %dma_start3A_230, %dma_start3A_231] : memref<8x128x64xf32, #tpu.memory_space<vmem>> -> memref<1x128x64xf32, #tpu.memory_space<vmem>>
      %dma_start3A_233 = tpu.memref_squeeze %dma_start3A_232 : memref<1x128x64xf32, #tpu.memory_space<vmem>> -> memref<128x64xf32, #tpu.memory_space<vmem>>
      tpu.enqueue_dma source(%dma_start3A_233 : memref<128x64xf32, #tpu.memory_space<vmem>>) target(%dma_start3A_229 : memref<128x64xf32, #tpu.memory_space<hbm>>) target_semaphore(%run_scoped3A_221 : memref<!tpu.dma_semaphore, #tpu.memory_space<semaphore_mem>>)
      %dma_wait3A_234 = arith.constant 0 : i32
      %dma_wait3A_235 = arith.constant 0 : i32
      %dma_wait3A_236 = tpu.memref_slice %arg6[%run_scoped3A_220, %dma_wait3A_234, %dma_wait3A_235] : memref<8x128x64xf32, #tpu.memory_space<vmem>> -> memref<1x128x64xf32, #tpu.memory_space<vmem>>
      %dma_wait3A_237 = tpu.memref_squeeze %dma_wait3A_236 : memref<1x128x64xf32, #tpu.memory_space<vmem>> -> memref<128x64xf32, #tpu.memory_space<vmem>>
      %dma_wait3A_238 = arith.constant 0 : i32
      %dma_wait3A_239 = tpu.memref_slice %arg4[%add3A_219, %dma_wait3A_238] : memref<819200x128xf32, #tpu.memory_space<hbm>> -> memref<128x64xf32, #tpu.memory_space<hbm>>
      %dma_wait3A_240 = arith.constant 0 : i32
      %dma_wait3A_241 = tpu.memref_slice %arg4[%add3A_219, %dma_wait3A_240] : memref<819200x128xf32, #tpu.memory_space<hbm>> -> memref<128x64xf32, #tpu.memory_space<hbm>>
      %dma_wait3A_242 = arith.constant 0 : i32
      %dma_wait3A_243 = arith.constant 0 : i32
      %dma_wait3A_244 = tpu.memref_slice %arg6[%run_scoped3A_220, %dma_wait3A_242, %dma_wait3A_243] : memref<8x128x64xf32, #tpu.memory_space<vmem>> -> memref<1x128x64xf32, #tpu.memory_space<vmem>>
      %dma_wait3A_245 = tpu.memref_squeeze %dma_wait3A_244 : memref<1x128x64xf32, #tpu.memory_space<vmem>> -> memref<128x64xf32, #tpu.memory_space<vmem>>
      tpu.wait_dma2 semaphore(%run_scoped3A_221 : memref<!tpu.dma_semaphore, #tpu.memory_space<semaphore_mem>>) src(%dma_wait3A_245 : memref<128x64xf32, #tpu.memory_space<vmem>>) dst(%dma_wait3A_241 : memref<128x64xf32, #tpu.memory_space<hbm>>)
      tpu.yield
    }) : () -> ()
    return
  }
}

</mosaic_0001>

<sc_bundles>
// kernel: embed_row_gather.3.cloned.1.call-start
scs
__scs_entry_jumppad:
0x0: {  	(pc) =	sbr.rel $0x88, $3  }
0x1: {  	(tag) =	ssettag $0x0;
	lr =	simm.s32 $0x1  }
0x2: {  	[smem:$0x3F9F] =	sst lr;
	_ =	strace $0xD0000000  }
0x3: {  	_ = 	snop  }
0x4: {  	_ = 	snop  }
0x5: {  	_ = 	snop  }
0x6: {  	_ = 	snop  }
0x7: {  	_ = 	snop  }
__scs_overlays_trampoline_lowered:
0x8: {  	[smem:$0x3FAE] =	sst s0  }
0x9: {  	[smem:$0x3FAF] =	sst s1  }
0xa: {  	[smem:$0x3FB0] =	sst s2  }
0xb: {  	[smem:$0x3FB1] =	sst s3  }
0xc: {  	[smem:$0x3FB2] =	sst s4  }
0xd: {  	[smem:$0x3FB3] =	sst s5  }
0xe: {  	[smem:$0x3FB4] =	sst s6  }
0xf: {  	[smem:$0x3FB5] =	sst s7  }
0x10: {  	[smem:$0x3FB6] =	sst s8  }
0x11: {  	[smem:$0x3FB7] =	sst s9;
	s0 =	simm.s32 @!p0 $0x0  }
0x12: {  	s1 =	sld [smem:$0x3F9D];
	s0 =	simm.s32 @p0 $0x1  }
0x13: {  	[smem:$0x3FB8] =	sst s0;
	s0 =	simm.s32 @!p1 $0x0  }
0x14: {  	s2 =	sld [smem:$0x3F9C];
	s0 =	simm.s32 @p1 $0x1  }
0x15: {  	[smem:$0x3FB9] =	sst s0;
	s0 =	simm.s32 @!p2 $0x0  }
0x16: {  	s3 =	sld [smem:$0x3FDB];
	s0 =	simm.s32 @p2 $0x1  }
0x17: {  	s4 =	simm.s32 $0x1BF5;
	[smem:$0x3FBB] =	sst s0  }
0x18: {  	s0 =	sld [smem:$0x3F9E];
	_ =	swait.ge [sflag:s4], $0x0  }
0x19: {  	s7 =	sld [smem:$0x3F9F]  }
0x1a: {  	s8 =	sadd.s32 $0xFFFFE003, lr  }
0x1b: {  	s9 =	sadd.s32 $0xFFFFFEF7, lr;
	s5 =	simm.s32 $0xFFFFFFFF;
	p2 =	slt.u32 s8, $0xFFFFF086  }
0x1c: {  	p1 =	slt.u32 s9, $0xF7A;
	s5 =	simm.s32 @!p2 $0x0  }
0x1d: {  	s5 =	simm.s32 @p1 $0x1;
	p0 =	seq.s32 s7, s2  }
0x1e: {  	s7 =	smul.u32 @!p0 $0xF7A, s2;
	p2 =	seq.s32 @!p0 s5, $0x0  }
0x1f: {  	s9 =	smul.u32 $0xF7A, s1;
	s8 =	simm.s32 @!p0 $0x1BF5;
	p2 =	por !p2, p0  }
0x20: {  	[sflag:s8] =	ssyncset.s32 @!p0 $0xFFFFF086;
	s6 =	sadd.s32 @!p0 s3, s7;
	s7 =	simm.s32 @!p0 $0x108  }
0x21: {  	s3 =	sadd.s32 s3, s9;
	s6 =	sadd.s32 @!p0 $0x88, s6;
	s7 =	simm.s32 @p2 $0x1082  }
0x22: {  	[simem:s7], [sflag:s8] =	dma.local @!p0 [hbm:s6], $0xF7A  }
0x23: {  	s9 =	sor.u32 $0xD0000000, s2;
	s6 =	simm.s32 $0x108;
	_ =	swait.ge @!p0 [sflag:s8], $0x0  }
0x24: {  	s3 =	sadd.s32 $0x88, s3;
	s6 =	simm.s32 @!p1 $0x1082;
	[sflag:s4] =	ssyncset.s32 $0xFFFFF086  }
0x25: {  	[simem:s6], [sflag:s4] =	dma.local [hbm:s3], $0xF7A  }
0x26: {  	[smem:$0x3F9F] =	sst s1;
	(tag) =	ssettag s2;
	_ =	strace s9  }
0x27: {  	s1 =	sld [smem:$0x3FAF]  }
0x28: {  	s2 =	sld [smem:$0x3FB0]  }
0x29: {  	s4 =	sld [smem:$0x3FB2]  }
0x2a: {  	p0 =	seq.s32 s5, $0x0;
	s5 =	sld [smem:$0x3FB3]  }
0x2b: {  	s6 =	sld [smem:$0x3FB4]  }
0x2c: {  	s7 =	sld [smem:$0x3FB5]  }
0x2d: {  	s3 =	simm.s32 $0x108;
	s8 =	sld [smem:$0x3FB6]  }
0x2e: {  	s3 =	simm.s32 @!p0 $0x1082;
	s9 =	sld [smem:$0x3FB7]  }
0x2f: {  	lr =	sadd.s32 s0, s3;
	s0 =	sld [smem:$0x3FAE]  }
0x30: {  	s3 =	sld [smem:$0x3FB1]  }
0x31: {  	[smem:$0x3FBA] =	sst s10  }
0x32: {  	s10 =	sld [smem:$0x3FB8];
	_ =	sdelay $0x3  }
0x33: {  	p0 =	seq.s32 s10, $0x1;
	s10 =	sld [smem:$0x3FBA];
	_ =	sdelay $0x3  }
0x34: {  	[smem:$0x3FBA] =	sst s10  }
0x35: {  	s10 =	sld [smem:$0x3FB9];
	_ =	sdelay $0x3  }
0x36: {  	p1 =	seq.s32 s10, $0x1;
	s10 =	sld [smem:$0x3FBA];
	_ =	sdelay $0x3  }
0x37: {  	[smem:$0x3FBA] =	sst s10  }
0x38: {  	s10 =	sld [smem:$0x3FBB]  }
0x39: {  	_ = 	snop;
	(pc) =	sbr.ind lr, $3  }
0x3a: {  	_ = 	snop  }
0x3b: {  	_ = 	snop  }
0x3c: {  	p2 =	seq.s32 s10, $0x1;
	s10 =	sld [smem:$0x3FBA]  }
0x3d: {  	_ =	shalt  }
0x3e: {  	_ =	shalt  }
0x3f: {  	_ =	shalt  }
0x40: {  	_ =	shalt  }
0x41: {  	_ =	shalt  }
0x42: {  	_ =	shalt  }
0x43: {  	_ =	shalt  }
0x44: {  	_ =	shalt  }
0x45: {  	_ =	shalt  }
0x46: {  	_ =	shalt  }
0x47: {  	_ =	shalt  }
0x48: {  	_ =	shalt  }
0x49: {  	_ =	shalt  }
0x4a: {  	_ =	shalt  }
0x4b: {  	_ =	shalt  }
0x4c: {  	_ =	shalt  }
0x4d: {  	_ =	shalt  }
0x4e: {  	_ =	shalt  }
0x4f: {  	_ =	shalt  }
0x50: {  	_ =	shalt  }
0x51: {  	_ =	shalt  }
0x52: {  	_ =	shalt  }
0x53: {  	_ =	shalt  }
0x54: {  	_ =	shalt  }
0x55: {  	_ =	shalt  }
0x56: {  	_ =	shalt  }
0x57: {  	_ =	shalt  }
0x58: {  	_ =	shalt  }
0x59: {  	_ =	shalt  }
0x5a: {  	_ =	shalt  }
0x5b: {  	_ =	shalt  }
0x5c: {  	_ =	shalt  }
0x5d: {  	_ =	shalt  }
0x5e: {  	_ =	shalt  }
0x5f: {  	_ =	shalt  }
0x60: {  	_ =	shalt  }
0x61: {  	_ =	shalt  }
0x62: {  	_ =	shalt  }
0x63: {  	_ =	shalt  }
0x64: {  	_ =	shalt  }
0x65: {  	_ =	shalt  }
0x66: {  	_ =	shalt  }
0x67: {  	_ =	shalt  }
0x68: {  	_ =	shalt  }
0x69: {  	_ =	shalt  }
0x6a: {  	_ =	shalt  }
0x6b: {  	_ =	shalt  }
0x6c: {  	_ =	shalt  }
0x6d: {  	_ =	shalt  }
0x6e: {  	_ =	shalt  }
0x6f: {  	_ =	shalt  }
0x70: {  	_ =	shalt  }
0x71: {  	_ =	shalt  }
0x72: {  	_ =	shalt  }
0x73: {  	_ =	shalt  }
0x74: {  	_ =	shalt  }
0x75: {  	_ =	shalt  }
0x76: {  	_ =	shalt  }
0x77: {  	_ =	shalt  }
0x78: {  	_ =	shalt  }
0x79: {  	_ =	shalt  }
0x7a: {  	_ =	shalt  }
0x7b: {  	_ =	shalt  }
0x7c: {  	_ =	shalt  }
0x7d: {  	_ =	shalt  }
0x7e: {  	_ =	shalt  }
0x7f: {  	_ =	shalt  }
0x80: {  	_ =	shalt  }
0x81: {  	_ =	shalt  }
0x82: {  	_ =	shalt  }
0x83: {  	_ =	shalt  }
0x84: {  	_ =	shalt  }
0x85: {  	_ =	shalt  }
0x86: {  	_ =	shalt  }
0x87: {  	_ =	shalt  }
.Lfunc_end0:
.L_simem_size_0:
called_computation.2_lowered:
.L_overlay_start_0:
0x88: {  	s2 =	sld [smem:$0x3FD9]  }
0x89: {  	s3 =	sld [smem:$0x3FFE];
	_ =	sdelay $0x1  }
0x8a: {  	s1 =	srdreg.scid  }
0x8b: {  	s0 =	sand.u32 $0x1, s1  }
0x8c: {  	s17 =	sshll.u32 s0, $0xA;
	s2 =	sadd.s32 s3, s2  }
0x8d: {  	s2 =	sadd.s32 s2, s17  }
0x8e: {  	[smem:$0x3FC6] =	sst s2  }
0x8f: {  	_ = 	snop  }
0x90: {  	s2 =	sld [smem:$0x3FD0];
	(tm) =	ssettm $0x1  }
0x91: {  	s18 =	sld [smem:$0x3FFB];
	_ =	sdelay $0x3  }
0x92: {  	_ =	strace s18  }
0x93: {  	s3 =	sld [smem:$0x3FFC];
	_ =	sdelay $0x3  }
0x94: {  	_ =	strace s3  }
0x95: {  	s3 =	sld [smem:$0x3FFD];
	_ =	sdelay $0x3  }
0x96: {  	_ =	strace s3  }
0x97: {  	_ =	strace $0x8FFFFFFF  }
0x98: {  	s19 =	sld [smem:$0x3FDB];
	_ =	sdelay $0x1  }
0x99: {  	s4 =	simm.s32 $_scs_section_size  }
0x9a: {  	s5 =	simm.s32 $_size__tile_overlayer_lowered;
	s6 =	simm.s32 $_tile_overlayer_lowered  }
0x9b: {  	s22 =	simm.s32 $0x1BFF;
	s21 =	sshll.u32 s6, $0x1;
	s3 =	sadd.s32 s4, s19  }
0x9c: {  	s7 =	simm.s32 $0x0;
	s20 =	sshll.u32 s5, $0x1;
	s5 =	sadd.s32 s21, s3  }
0x9d: {  	[timem:s7], [sflag:s22] =	dma.local [hbm:s5], s20  }
0x9e: {  	_ =	swait.ge [sflag:s22], s20  }
0x9f: {  	s4 =	ssub.s32 $0x0, s20;
	[sflag:s22] =	ssyncset.done $0x0  }
0xa0: {  	[sflag:s22] =	ssyncadd.s32 s4;
	_ =	sdelay $0x1  }
0xa1: {  	s23 =	simm.s32 $0x1B8B  }
0xa2: {  	_ =	swait.ge [sflag:s23], $0x1  }
0xa3: {  	[sflag:s23] =	ssyncset.done $0x0  }
0xa4: {  	s25 =	simm.s32 $0x1B8E;
	s24 =	sld [smem:$0x3FFE];
	[sflag:s23] =	ssyncadd.s32 $0xFFFFFFFF  }
0xa5: {  	s26 =	simm.s32 $execute0_lowered;
	[smem:$0x3FD2] =	sst s25  }
0xa6: {  	s5 =	sshll.u32 s26, $0x1;
	_ =	strace $0x80000049;
	[dreg:$0x1] =	wrdreg $0xFFFFFFFF  }
0xa7: {  	s28 =	simm.s32 $_size_execute0_lowered;
	s3 =	sadd.s32 s3, s5;
	[dreg:$0x0] =	wrdreg $0x0  }
0xa8: {  	s5 =	sshll.u32 s28, $0x1;
	[dreg:$0x2] =	wrdreg s3  }
0xa9: {  	[dreg:$0x3] =	wrdreg s5  }
0xaa: {  	[dreg:$0x4] =	wrdreg $0xC0  }
0xab: {  	_ =	task [dreg:s7], $0x5FFFF  }
0xac: {  	[dreg:$0x1] =	wrdreg $0xFFFFFFFF  }
0xad: {  	[dreg:$0x0] =	wrdreg $0x60  }
0xae: {  	[dreg:$0x2] =	wrdreg s24  }
0xaf: {  	[dreg:$0x3] =	wrdreg s2  }
0xb0: {  	[dreg:$0x4] =	wrdreg $0x9  }
0xb1: {  	_ =	task.clear_ibuf [dreg:s7], $0x5FFFF;
	_ =	strace $0x90000049  }
0xb2: {  	s29 =	simm.s32 $0x9;
	_ =	strace $0x8000004B  }
0xb3: {  	_ =	swait.ge [sflag:s29], $0x1  }
0xb4: {  	[sflag:s29] =	ssyncadd.s32 $0xFFFFFFFF  }
0xb5: {  	_ =	strace $0x9000004B  }
0xb6: {  	_ =	sfence  }
0xb7: {  	s30 =	sld [smem:$0x0];
	_ =	sdelay $0x2  }
0xb8: {  	s31 =	sshll.u32 s1, $0xD;
	s1 =	sshrl.u32 s1, $0x2  }
0xb9: {  	s3 =	sand.u32 $0x4000, s31;
	s1 =	sadd.s32 s1, s30  }
0xba: {  	s0 =	sor.u32 s3, s0;
	s1 =	sshll.u32 s1, $0x11  }
0xbb: {  	s0 =	sor.u32 s1, s0  }
0xbc: {  	s0 =	sadd.s32 $0x8F2B, s0  }
0xbd: {  	[sflag:s0] =	ssyncadd.remote.s32 $0x1  }
0xbe: {  	_ =	sfence.sel $0xFFFF  }
0xbf: {  	[dreg:$0x0] =	wrdreg $0xFFFFFFFF;
	(pc) =	sbr.abs _section_cstart, $3  }
0xc0: {  	[dreg:$0x1] =	wrdreg $0xFFFFFFFF  }
0xc1: {  	_ =	task.clear_ibuf [dreg:s7], $0x2FFFF;
	_ =	strace $0x9FFFFFFF  }
0xc2: {  	(tm) =	ssettm $0x7FFFFFFF  }
0xc3: {  	_ =	shalt  }
tec
execute0_lowered:
.L_overlay_start_1:
0x0: {  	(tag) =	ssettag $0x1  }
0x1: {  	s0 =	srdreg.scid;
	s1 =	rddreg [dreg:$0x0]  }
0x2: {  	s9 =	stileid.u32;
	s4 =	rddreg [dreg:$0x1];
	s3 =	simm.s32 $0x0  }
0x3: {  	s14 =	simm.s32 $0x9;
	s15 =	simm.s32 $0x80;
	s28 =	simm.s32 $0x12400  }
0x4: {  	s30 =	simm.s32 $0x14400;
	s31 =	simm.s32 $0x1;
	s6 =	smul.u32 $0x640000, s9  }
0x5: {  	s0 =	sand.u32 $0x1, s0;
	s2 =	sshll.u32 s9, $0x1;
	s9 =	smul.u32 $0xC800, s9  }
0x6: {  	s29 =	simm.s32 $0x8;
	s2 =	sor.u32 s0, s2;
	s7 =	smul.u32 $0x320000, s0  }
0x7: {  	[smem:$0x7FF] =	sst s3;
	s3 =	sadd.s32 $0xF43200, s1;
	s5 =	smul.u32 $0x6400, s2  }
0x8: {  	s1 =	sadd.s32 $0xE00, s1;
	s8 =	ssub.s32 $0x2, s0;
	s2 =	smul.u32 $0x320000, s2  }
0x9: {  	_ =	strace $0x8000004A;
	s0 =	smul.u32 $0x6400, s0;
	s10 =	sshrl.u32 s8, $0x1  }
0xa: {  	s13 =	ssub.s32 s8, s10;
	s5 =	sshrl.u32 s5, $0x3;
	s2 =	sshrl.u32 s2, $0x3  }
0xb: {  	s16 =	sadd.s32 s7, s6;
	s4 =	sadd.s32 s4, s5;
	s2 =	sadd.s32 s1, s2  }
0xc: {  	s0 =	sadd.s32 s0, s9;
	[dreg:$0xb] =	wrdreg s4;
	s17 =	sadd.s32 $0x60000, s2  }
0xd: {  	s0 =	sshll.u32 s0, $0x4;
	s18 =	sadd.s32 $0x60800, s2;
	[dreg:$0xc] =	wrdreg s17  }
0xe: {  	s13 =	smax.u32 s13, $0x1;
	s19 =	sadd.s32 $0x61000, s2;
	[dreg:$0xd] =	wrdreg s18  }
0xf: {  	s0 =	sadd.s32 s0, s1;
	s21 =	sadd.s32 $0x61800, s2;
	[dreg:$0xe] =	wrdreg s19  }
0x10: {  	s4 =	sshrl.u32 s16, $0x3;
	s20 =	sadd.s32 $0x3800, s0;
	[dreg:$0xf] =	wrdreg s21  }
0x11: {  	s22 =	sadd.s32 $0x3000, s0;
	s9 =	sadd.s32 $0x62000, s2;
	[dreg:$0x4] =	wrdreg s20  }
0x12: {  	s23 =	sadd.s32 $0x2800, s0;
	s10 =	sadd.s32 $0x62800, s2;
	[dreg:$0x5] =	wrdreg s22  }
0x13: {  	s24 =	sadd.s32 $0x2000, s0;
	s11 =	sadd.s32 $0x63000, s2;
	[dreg:$0x6] =	wrdreg s23  }
0x14: {  	s25 =	sadd.s32 $0x1800, s0;
	s12 =	sadd.s32 $0x63800, s2;
	[dreg:$0x7] =	wrdreg s24  }
0x15: {  	s26 =	sadd.s32 $0x1000, s0;
	s0 =	sadd.s32 $0x800, s0;
	[dreg:$0x8] =	wrdreg s25  }
0x16: {  	s16 =	simm.s32 $0x6400;
	s2 =	simm.s32 $0x0;
	[dreg:$0x9] =	wrdreg s26  }
0x17: {  	s4 =	sadd.s32 s4, s1;
	[dreg:$0xa] =	wrdreg s0;
	s17 =	simm.s32 $0x8400  }
0x18: {  	s19 =	simm.s32 $0xA400;
	s21 =	simm.s32 $0xC400;
	s23 =	simm.s32 $0xE400  }
0x19: {  	s25 =	simm.s32 $0x10400;
	s1 =	simm.s32 $0x40;
	s0 =	simm.s32 $0x2  }
0x1a: {  	s18 =	simm.s32 $0x3;
	s20 =	simm.s32 $0x4;
	s22 =	simm.s32 $0x5  }
0x1b: {  	s24 =	simm.s32 $0x6;
	s26 =	simm.s32 $0x7;
	[dreg:$0x3] =	wrdreg s4  }
.LBB2_1:
0x1c: {  	s4 =	simm.s32 $0x0;
	s5 =	rddreg [dreg:$0xb]  }
0x1d: {  	[tilespmem:s4], [sflag:$0x9] =	stream.linear.gather [hbm4b:s5+s4], $0x6400, $0x38;
	[tilespmem:$0x16400] =	vst v63  }
0x1e: {  	_ =	swait.ge [sflag:s14], $0x6400  }
0x1f: {  	[sflag:s14] =	ssyncset.done $0x0  }
0x20: {  	[sflag:s14] =	ssyncadd.s32 $0xFFFF9C00  }
0x21: {  	[tilespmem:s16], [sflag:$0x1] =	stream.indirect.gather [hbm4b:s3+s15], $0x40, s4, s15, $0xb8;
	[tilespmem:$0x16400] =	vst v63  }
0x22: {  	_ = 	snop  }
0x23: {  	[tilespmem:s17], [sflag:$0x2] =	stream.indirect.gather [hbm4b:s3+s15], $0x40, s15, s15, $0xb8;
	[tilespmem:$0x16400] =	vst v63  }
0x24: {  	s8 =	simm.s32 $0x100  }
0x25: {  	[tilespmem:s19], [sflag:$0x3] =	stream.indirect.gather [hbm4b:s3+s15], $0x40, s8, s15, $0xb8;
	[tilespmem:$0x16400] =	vst v63  }
0x26: {  	s5 =	simm.s32 $0x180  }
0x27: {  	[tilespmem:s21], [sflag:$0x4] =	stream.indirect.gather [hbm4b:s3+s15], $0x40, s5, s15, $0xb8;
	[tilespmem:$0x16400] =	vst v63  }
0x28: {  	s6 =	simm.s32 $0x200  }
0x29: {  	[tilespmem:s23], [sflag:$0x5] =	stream.indirect.gather [hbm4b:s3+s15], $0x40, s6, s15, $0xb8;
	[tilespmem:$0x16400] =	vst v63  }
0x2a: {  	s7 =	simm.s32 $0x280  }
0x2b: {  	[tilespmem:s25], [sflag:$0x6] =	stream.indirect.gather [hbm4b:s3+s15], $0x40, s7, s15, $0xb8;
	[tilespmem:$0x16400] =	vst v63  }
0x2c: {  	s8 =	simm.s32 $0x300  }
0x2d: {  	[tilespmem:s28], [sflag:$0x7] =	stream.indirect.gather [hbm4b:s3+s15], $0x40, s8, s15, $0xb8;
	[tilespmem:$0x16400] =	vst v63  }
0x2e: {  	s5 =	simm.s32 $0x380  }
0x2f: {  	[tilespmem:s30], [sflag:$0x8] =	stream.indirect.gather [hbm4b:s3+s15], $0x40, s5, s15, $0xb8;
	[tilespmem:$0x16400] =	vst v63  }
0x30: {  	_ =	swait.ge [sflag:s31], $0x2000  }
0x31: {  	s6 =	rddreg [dreg:$0x3];
	[sflag:s31] =	ssyncset.done $0x0  }
0x32: {  	[sflag:s31] =	ssyncadd.s32 $0xFFFFE000;
	s4 =	sadd.s32 $0x0, s6  }
0x33: {  	[hbm4b:s4+s1] =	stream.strided.scatter [tilespmem:s16], [sflag:$0x9], $0x2000, s15, s1, $0x38;
	[tilespmem:$0x16400] =	vst v63  }
0x34: {  	_ =	swait.ge [sflag:s14], $0x2000  }
0x35: {  	[sflag:s14] =	ssyncset.done $0x0  }
0x36: {  	s7 =	simm.s32 $0x400;
	[sflag:s14] =	ssyncadd.s32 $0xFFFFE000  }
0x37: {  	[tilespmem:s16], [sflag:$0x1] =	stream.indirect.gather [hbm4b:s3+s15], $0x40, s7, s15, $0xb8;
	[tilespmem:$0x16400] =	vst v63  }
0x38: {  	_ =	swait.ge [sflag:s0], $0x2000  }
0x39: {  	s8 =	rddreg [dreg:$0xa];
	[sflag:s0] =	ssyncset.done $0x0  }
0x3a: {  	[sflag:s0] =	ssyncadd.s32 $0xFFFFE000;
	s4 =	sadd.s32 $0x0, s8  }
0x3b: {  	[hbm4b:s4+s1] =	stream.strided.scatter [tilespmem:s17], [sflag:$0x9], $0x2000, s15, s1, $0x38;
	[tilespmem:$0x16400] =	vst v63  }
0x3c: {  	_ =	swait.ge [sflag:s14], $0x2000  }
0x3d: {  	[sflag:s14] =	ssyncset.done $0x0  }
0x3e: {  	s5 =	simm.s32 $0x480;
	[sflag:s14] =	ssyncadd.s32 $0xFFFFE000  }
0x3f: {  	[tilespmem:s17], [sflag:$0x2] =	stream.indirect.gather [hbm4b:s3+s15], $0x40, s5, s15, $0xb8;
	[tilespmem:$0x16400] =	vst v63  }
0x40: {  	_ =	swait.ge [sflag:s18], $0x2000  }
0x41: {  	s6 =	rddreg [dreg:$0x9];
	[sflag:s18] =	ssyncset.done $0x0  }
0x42: {  	[sflag:s18] =	ssyncadd.s32 $0xFFFFE000;
	s4 =	sadd.s32 $0x0, s6  }
0x43: {  	[hbm4b:s4+s1] =	stream.strided.scatter [tilespmem:s19], [sflag:$0x9], $0x2000, s15, s1, $0x38;
	[tilespmem:$0x16400] =	vst v63  }
0x44: {  	_ =	swait.ge [sflag:s14], $0x2000  }
0x45: {  	[sflag:s14] =	ssyncset.done $0x0  }
0x46: {  	s7 =	simm.s32 $0x500;
	[sflag:s14] =	ssyncadd.s32 $0xFFFFE000  }
0x47: {  	[tilespmem:s19], [sflag:$0x3] =	stream.indirect.gather [hbm4b:s3+s15], $0x40, s7, s15, $0xb8;
	[tilespmem:$0x16400] =	vst v63  }
0x48: {  	_ =	swait.ge [sflag:s20], $0x2000  }
0x49: {  	s8 =	rddreg [dreg:$0x8];
	[sflag:s20] =	ssyncset.done $0x0  }
0x4a: {  	[sflag:s20] =	ssyncadd.s32 $0xFFFFE000;
	s4 =	sadd.s32 $0x0, s8  }
0x4b: {  	[hbm4b:s4+s1] =	stream.strided.scatter [tilespmem:s21], [sflag:$0x9], $0x2000, s15, s1, $0x38;
	[tilespmem:$0x16400] =	vst v63  }
0x4c: {  	_ =	swait.ge [sflag:s14], $0x2000  }
0x4d: {  	[sflag:s14] =	ssyncset.done $0x0  }
0x4e: {  	s5 =	simm.s32 $0x580;
	[sflag:s14] =	ssyncadd.s32 $0xFFFFE000  }
0x4f: {  	[tilespmem:s21], [sflag:$0x4] =	stream.indirect.gather [hbm4b:s3+s15], $0x40, s5, s15, $0xb8;
	[tilespmem:$0x16400] =	vst v63  }
0x50: {  	_ =	swait.ge [sflag:s22], $0x2000  }
0x51: {  	s6 =	rddreg [dreg:$0x7];
	[sflag:s22] =	ssyncset.done $0x0  }
0x52: {  	[sflag:s22] =	ssyncadd.s32 $0xFFFFE000;
	s4 =	sadd.s32 $0x0, s6  }
0x53: {  	[hbm4b:s4+s1] =	stream.strided.scatter [tilespmem:s23], [sflag:$0x9], $0x2000, s15, s1, $0x38;
	[tilespmem:$0x16400] =	vst v63  }
0x54: {  	_ =	swait.ge [sflag:s14], $0x2000  }
0x55: {  	[sflag:s14] =	ssyncset.done $0x0  }
0x56: {  	s7 =	simm.s32 $0x600;
	[sflag:s14] =	ssyncadd.s32 $0xFFFFE000  }
0x57: {  	[tilespmem:s23], [sflag:$0x5] =	stream.indirect.gather [hbm4b:s3+s15], $0x40, s7, s15, $0xb8;
	[tilespmem:$0x16400] =	vst v63  }
0x58: {  	_ =	swait.ge [sflag:s24], $0x2000  }
0x59: {  	s8 =	rddreg [dreg:$0x6];
	[sflag:s24] =	ssyncset.done $0x0  }
0x5a: {  	[sflag:s24] =	ssyncadd.s32 $0xFFFFE000;
	s4 =	sadd.s32 $0x0, s8  }
0x5b: {  	[hbm4b:s4+s1] =	stream.strided.scatter [tilespmem:s25], [sflag:$0x9], $0x2000, s15, s1, $0x38;
	[tilespmem:$0x16400] =	vst v63  }
0x5c: {  	_ =	swait.ge [sflag:s14], $0x2000  }
0x5d: {  	[sflag:s14] =	ssyncset.done $0x0  }
0x5e: {  	s5 =	simm.s32 $0x680;
	[sflag:s14] =	ssyncadd.s32 $0xFFFFE000  }
0x5f: {  	[tilespmem:s25], [sflag:$0x6] =	stream.indirect.gather [hbm4b:s3+s15], $0x40, s5, s15, $0xb8;
	[tilespmem:$0x16400] =	vst v63  }
0x60: {  	_ =	swait.ge [sflag:s26], $0x2000  }
0x61: {  	s6 =	rddreg [dreg:$0x5];
	[sflag:s26] =	ssyncset.done $0x0  }
0x62: {  	[sflag:s26] =	ssyncadd.s32 $0xFFFFE000;
	s4 =	sadd.s32 $0x0, s6  }
0x63: {  	[hbm4b:s4+s1] =	stream.strided.scatter [tilespmem:s28], [sflag:$0x9], $0x2000, s15, s1, $0x38;
	[tilespmem:$0x16400] =	vst v63  }
0x64: {  	_ =	swait.ge [sflag:s14], $0x2000  }
0x65: {  	[sflag:s14] =	ssyncset.done $0x0  }
0x66: {  	s7 =	simm.s32 $0x700;
	[sflag:s14] =	ssyncadd.s32 $0xFFFFE000  }
0x67: {  	[tilespmem:s28], [sflag:$0x7] =	stream.indirect.gather [hbm4b:s3+s15], $0x40, s7, s15, $0xb8;
	[tilespmem:$0x16400] =	vst v63  }
0x68: {  	_ =	swait.ge [sflag:s29], $0x2000  }
0x69: {  	s8 =	rddreg [dreg:$0x4];
	[sflag:s29] =	ssyncset.done $0x0  }
0x6a: {  	[sflag:s29] =	ssyncadd.s32 $0xFFFFE000;
	s4 =	sadd.s32 $0x0, s8  }
0x6b: {  	[hbm4b:s4+s1] =	stream.strided.scatter [tilespmem:s30], [sflag:$0x9], $0x2000, s15, s1, $0x38;
	[tilespmem:$0x16400] =	vst v63  }
0x6c: {  	_ =	swait.ge [sflag:s14], $0x2000  }
0x6d: {  	s5 =	simm.s32 $0x4000;
	[sflag:s14] =	ssyncset.done $0x0  }
0x6e: {  	s6 =	simm.s32 $0xB80;
	s4 =	simm.s32 $0x780;
	[sflag:s14] =	ssyncadd.s32 $0xFFFFE000  }
.LBB2_2:
0x6f: {  	[tilespmem:s30], [sflag:$0x8] =	stream.indirect.gather [hbm4b:s3+s15], $0x40, s4, s15, $0xb8;
	[tilespmem:$0x16400] =	vst v63  }
0x70: {  	_ =	swait.ge [sflag:s31], $0x2000  }
0x71: {  	s7 =	smov.u32 s5;
	s8 =	rddreg [dreg:$0x3];
	[sflag:s31] =	ssyncset.done $0x0  }
0x72: {  	[sflag:s31] =	ssyncadd.s32 $0xFFFFE000;
	s8 =	sadd.s32 s7, s8  }
0x73: {  	[hbm4b:s8+s1] =	stream.strided.scatter [tilespmem:s16], [sflag:$0x9], $0x2000, s15, s1, $0x38;
	[tilespmem:$0x16400] =	vst v63  }
0x74: {  	_ =	swait.ge [sflag:s14], $0x2000  }
0x75: {  	[sflag:s14] =	ssyncset.done $0x0  }
0x76: {  	s8 =	sadd.s32 $0xFFFFFC80, s6;
	[sflag:s14] =	ssyncadd.s32 $0xFFFFE000  }
0x77: {  	[tilespmem:s16], [sflag:$0x1] =	stream.indirect.gather [hbm4b:s3+s15], $0x40, s8, s15, $0xb8;
	[tilespmem:$0x16400] =	vst v63  }
0x78: {  	_ =	swait.ge [sflag:s0], $0x2000  }
0x79: {  	s8 =	rddreg [dreg:$0xa];
	[sflag:s0] =	ssyncset.done $0x0  }
0x7a: {  	[sflag:s0] =	ssyncadd.s32 $0xFFFFE000;
	s8 =	sadd.s32 s7, s8  }
0x7b: {  	[hbm4b:s8+s1] =	stream.strided.scatter [tilespmem:s17], [sflag:$0x9], $0x2000, s15, s1, $0x38;
	[tilespmem:$0x16400] =	vst v63  }
0x7c: {  	_ =	swait.ge [sflag:s14], $0x2000  }
0x7d: {  	[sflag:s14] =	ssyncset.done $0x0  }
0x7e: {  	s8 =	sadd.s32 $0xFFFFFD00, s6;
	[sflag:s14] =	ssyncadd.s32 $0xFFFFE000  }
0x7f: {  	[tilespmem:s17], [sflag:$0x2] =	stream.indirect.gather [hbm4b:s3+s15], $0x40, s8, s15, $0xb8;
	[tilespmem:$0x16400] =	vst v63  }
0x80: {  	_ =	swait.ge [sflag:s18], $0x2000  }
0x81: {  	s8 =	rddreg [dreg:$0x9];
	[sflag:s18] =	ssyncset.done $0x0  }
0x82: {  	[sflag:s18] =	ssyncadd.s32 $0xFFFFE000;
	s8 =	sadd.s32 s7, s8  }
0x83: {  	[hbm4b:s8+s1] =	stream.strided.scatter [tilespmem:s19], [sflag:$0x9], $0x2000, s15, s1, $0x38;
	[tilespmem:$0x16400] =	vst v63  }
0x84: {  	_ =	swait.ge [sflag:s14], $0x2000  }
0x85: {  	[sflag:s14] =	ssyncset.done $0x0  }
0x86: {  	s8 =	sadd.s32 $0xFFFFFD80, s6;
	[sflag:s14] =	ssyncadd.s32 $0xFFFFE000  }
0x87: {  	[tilespmem:s19], [sflag:$0x3] =	stream.indirect.gather [hbm4b:s3+s15], $0x40, s8, s15, $0xb8;
	[tilespmem:$0x16400] =	vst v63  }
0x88: {  	_ =	swait.ge [sflag:s20], $0x2000  }
0x89: {  	s8 =	rddreg [dreg:$0x8];
	[sflag:s20] =	ssyncset.done $0x0  }
0x8a: {  	[sflag:s20] =	ssyncadd.s32 $0xFFFFE000;
	s8 =	sadd.s32 s7, s8  }
0x8b: {  	[hbm4b:s8+s1] =	stream.strided.scatter [tilespmem:s21], [sflag:$0x9], $0x2000, s15, s1, $0x38;
	[tilespmem:$0x16400] =	vst v63  }
0x8c: {  	_ =	swait.ge [sflag:s14], $0x2000  }
0x8d: {  	[sflag:s14] =	ssyncset.done $0x0  }
0x8e: {  	s8 =	sadd.s32 $0xFFFFFE00, s6;
	[sflag:s14] =	ssyncadd.s32 $0xFFFFE000  }
0x8f: {  	[tilespmem:s21], [sflag:$0x4] =	stream.indirect.gather [hbm4b:s3+s15], $0x40, s8, s15, $0xb8;
	[tilespmem:$0x16400] =	vst v63  }
0x90: {  	_ =	swait.ge [sflag:s22], $0x2000  }
0x91: {  	s8 =	rddreg [dreg:$0x7];
	[sflag:s22] =	ssyncset.done $0x0  }
0x92: {  	[sflag:s22] =	ssyncadd.s32 $0xFFFFE000;
	s8 =	sadd.s32 s7, s8  }
0x93: {  	[hbm4b:s8+s1] =	stream.strided.scatter [tilespmem:s23], [sflag:$0x9], $0x2000, s15, s1, $0x38;
	[tilespmem:$0x16400] =	vst v63  }
0x94: {  	_ =	swait.ge [sflag:s14], $0x2000  }
0x95: {  	[sflag:s14] =	ssyncset.done $0x0  }
0x96: {  	s8 =	sadd.s32 $0xFFFFFE80, s6;
	[sflag:s14] =	ssyncadd.s32 $0xFFFFE000  }
0x97: {  	[tilespmem:s23], [sflag:$0x5] =	stream.indirect.gather [hbm4b:s3+s15], $0x40, s8, s15, $0xb8;
	[tilespmem:$0x16400] =	vst v63  }
0x98: {  	_ =	swait.ge [sflag:s24], $0x2000  }
0x99: {  	s8 =	rddreg [dreg:$0x6];
	[sflag:s24] =	ssyncset.done $0x0  }
0x9a: {  	[sflag:s24] =	ssyncadd.s32 $0xFFFFE000;
	s8 =	sadd.s32 s7, s8  }
0x9b: {  	[hbm4b:s8+s1] =	stream.strided.scatter [tilespmem:s25], [sflag:$0x9], $0x2000, s15, s1, $0x38;
	[tilespmem:$0x16400] =	vst v63  }
0x9c: {  	_ =	swait.ge [sflag:s14], $0x2000  }
0x9d: {  	[sflag:s14] =	ssyncset.done $0x0  }
0x9e: {  	s8 =	sadd.s32 $0xFFFFFF00, s6;
	[sflag:s14] =	ssyncadd.s32 $0xFFFFE000  }
0x9f: {  	[tilespmem:s25], [sflag:$0x6] =	stream.indirect.gather [hbm4b:s3+s15], $0x40, s8, s15, $0xb8;
	[tilespmem:$0x16400] =	vst v63  }
0xa0: {  	_ =	swait.ge [sflag:s26], $0x2000  }
0xa1: {  	s8 =	rddreg [dreg:$0x5];
	[sflag:s26] =	ssyncset.done $0x0  }
0xa2: {  	[sflag:s26] =	ssyncadd.s32 $0xFFFFE000;
	s8 =	sadd.s32 s7, s8  }
0xa3: {  	[hbm4b:s8+s1] =	stream.strided.scatter [tilespmem:s28], [sflag:$0x9], $0x2000, s15, s1, $0x38;
	[tilespmem:$0x16400] =	vst v63  }
0xa4: {  	_ =	swait.ge [sflag:s14], $0x2000  }
0xa5: {  	[sflag:s14] =	ssyncset.done $0x0  }
0xa6: {  	s8 =	sadd.s32 $0xFFFFFF80, s6;
	[sflag:s14] =	ssyncadd.s32 $0xFFFFE000  }
0xa7: {  	[tilespmem:s28], [sflag:$0x7] =	stream.indirect.gather [hbm4b:s3+s15], $0x40, s8, s15, $0xb8;
	[tilespmem:$0x16400] =	vst v63  }
0xa8: {  	_ =	swait.ge [sflag:s29], $0x2000  }
0xa9: {  	p0 =	sne.s32 s5, $0x5C000;
	s8 =	rddreg [dreg:$0x4];
	[sflag:s29] =	ssyncset.done $0x0  }
.Ltmp0:
0xaa: {  	[sflag:s29] =	ssyncadd.s32 $0xFFFFE000;
	s7 =	sadd.s32 s7, s8;
	(pc) =	sbr.rel @p0 .LBB2_2-.Ltmp0, $4  }
0xab: {  	[hbm4b:s7+s1] =	stream.strided.scatter [tilespmem:s30], [sflag:$0x9], $0x2000, s15, s1, $0x38;
	[tilespmem:$0x16400] =	vst v63  }
0xac: {  	_ =	swait.ge [sflag:s14], $0x2000  }
0xad: {  	s4 =	smov.u32 s6;
	[sflag:s14] =	ssyncset.done $0x0  }
0xae: {  	s5 =	sadd.s32 $0x4000, s5;
	s6 =	sadd.s32 $0x400, s6;
	[sflag:s14] =	ssyncadd.s32 $0xFFFFE000  }
0xaf: {  	[tilespmem:s30], [sflag:$0x8] =	stream.indirect.gather [hbm4b:s3+s15], $0x40, s4, s15, $0xb8;
	[tilespmem:$0x16400] =	vst v63  }
0xb0: {  	_ =	swait.ge [sflag:s31], $0x2000  }
0xb1: {  	[sflag:s31] =	ssyncset.done $0x0  }
0xb2: {  	s5 =	rddreg [dreg:$0xc];
	[sflag:s31] =	ssyncadd.s32 $0xFFFFE000  }
0xb3: {  	[hbm4b:s5+s1] =	stream.strided.scatter [tilespmem:s16], [sflag:$0x9], $0x2000, s15, s1, $0x38;
	[tilespmem:$0x16400] =	vst v63  }
0xb4: {  	_ =	swait.ge [sflag:s14], $0x2000  }
0xb5: {  	[sflag:s14] =	ssyncset.done $0x0  }
0xb6: {  	[sflag:s14] =	ssyncadd.s32 $0xFFFFE000  }
0xb7: {  	_ =	swait.ge [sflag:s0], $0x2000  }
0xb8: {  	[sflag:s0] =	ssyncset.done $0x0  }
0xb9: {  	s6 =	rddreg [dreg:$0xd];
	[sflag:s0] =	ssyncadd.s32 $0xFFFFE000  }
0xba: {  	[hbm4b:s6+s1] =	stream.strided.scatter [tilespmem:s17], [sflag:$0x9], $0x2000, s15, s1, $0x38;
	[tilespmem:$0x16400] =	vst v63  }
0xbb: {  	_ =	swait.ge [sflag:s14], $0x2000  }
0xbc: {  	[sflag:s14] =	ssyncset.done $0x0  }
0xbd: {  	[sflag:s14] =	ssyncadd.s32 $0xFFFFE000  }
0xbe: {  	_ =	swait.ge [sflag:s18], $0x2000  }
0xbf: {  	[sflag:s18] =	ssyncset.done $0x0  }
0xc0: {  	s7 =	rddreg [dreg:$0xe];
	[sflag:s18] =	ssyncadd.s32 $0xFFFFE000  }
0xc1: {  	[hbm4b:s7+s1] =	stream.strided.scatter [tilespmem:s19], [sflag:$0x9], $0x2000, s15, s1, $0x38;
	[tilespmem:$0x16400] =	vst v63  }
0xc2: {  	_ =	swait.ge [sflag:s14], $0x2000  }
0xc3: {  	[sflag:s14] =	ssyncset.done $0x0  }
0xc4: {  	[sflag:s14] =	ssyncadd.s32 $0xFFFFE000  }
0xc5: {  	_ =	swait.ge [sflag:s20], $0x2000  }
0xc6: {  	[sflag:s20] =	ssyncset.done $0x0  }
0xc7: {  	s8 =	rddreg [dreg:$0xf];
	[sflag:s20] =	ssyncadd.s32 $0xFFFFE000  }
0xc8: {  	[hbm4b:s8+s1] =	stream.strided.scatter [tilespmem:s21], [sflag:$0x9], $0x2000, s15, s1, $0x38;
	[tilespmem:$0x16400] =	vst v63  }
0xc9: {  	_ =	swait.ge [sflag:s14], $0x2000  }
0xca: {  	[sflag:s14] =	ssyncset.done $0x0  }
0xcb: {  	[sflag:s14] =	ssyncadd.s32 $0xFFFFE000  }
0xcc: {  	_ =	swait.ge [sflag:s22], $0x2000  }
0xcd: {  	[sflag:s22] =	ssyncset.done $0x0  }
0xce: {  	[sflag:s22] =	ssyncadd.s32 $0xFFFFE000  }
0xcf: {  	[hbm4b:s9+s1] =	stream.strided.scatter [tilespmem:s23], [sflag:$0x9], $0x2000, s15, s1, $0x38;
	[tilespmem:$0x16400] =	vst v63  }
0xd0: {  	_ =	swait.ge [sflag:s14], $0x2000  }
0xd1: {  	[sflag:s14] =	ssyncset.done $0x0  }
0xd2: {  	[sflag:s14] =	ssyncadd.s32 $0xFFFFE000  }
0xd3: {  	_ =	swait.ge [sflag:s24], $0x2000  }
0xd4: {  	[sflag:s24] =	ssyncset.done $0x0  }
0xd5: {  	[sflag:s24] =	ssyncadd.s32 $0xFFFFE000  }
0xd6: {  	[hbm4b:s10+s1] =	stream.strided.scatter [tilespmem:s25], [sflag:$0x9], $0x2000, s15, s1, $0x38;
	[tilespmem:$0x16400] =	vst v63  }
0xd7: {  	_ =	swait.ge [sflag:s14], $0x2000  }
0xd8: {  	[sflag:s14] =	ssyncset.done $0x0  }
0xd9: {  	[sflag:s14] =	ssyncadd.s32 $0xFFFFE000  }
0xda: {  	_ =	swait.ge [sflag:s26], $0x2000  }
0xdb: {  	[sflag:s26] =	ssyncset.done $0x0  }
0xdc: {  	[sflag:s26] =	ssyncadd.s32 $0xFFFFE000  }
0xdd: {  	[hbm4b:s11+s1] =	stream.strided.scatter [tilespmem:s28], [sflag:$0x9], $0x2000, s15, s1, $0x38;
	[tilespmem:$0x16400] =	vst v63  }
0xde: {  	_ =	swait.ge [sflag:s14], $0x2000  }
0xdf: {  	[sflag:s14] =	ssyncset.done $0x0  }
0xe0: {  	[sflag:s14] =	ssyncadd.s32 $0xFFFFE000  }
0xe1: {  	s2 =	sadd.s32 $0x1, s2;
	_ =	swait.ge [sflag:s29], $0x2000  }
0xe2: {  	p0 =	sne.s32 s2, s13;
	[sflag:s29] =	ssyncset.done $0x0  }
.Ltmp1:
0xe3: {  	[sflag:s29] =	ssyncadd.s32 $0xFFFFE000;
	(pc) =	sbr.rel @p0 .LBB2_1-.Ltmp1, $4  }
0xe4: {  	[hbm4b:s12+s1] =	stream.strided.scatter [tilespmem:s30], [sflag:$0x9], $0x2000, s15, s1, $0x38;
	[tilespmem:$0x16400] =	vst v63  }
0xe5: {  	_ =	swait.ge [sflag:s14], $0x2000  }
0xe6: {  	[sflag:s14] =	ssyncset.done $0x0  }
0xe7: {  	[sflag:s14] =	ssyncadd.s32 $0xFFFFE000  }
0xe8: {  	_ =	sfence.sel $0x180000  }
0xe9: {  	[bflag:$0x0] =	sbarrier.arrive $0xFFFF  }
0xea: {  	_ =	strace $0x9000004A  }
0xeb: {  	s0 =	stileid.u32;
	[bflag:$0x2] =	sbarrier.arrive $0xFFFF  }
0xec: {  	p0 =	sne.s32 s0, $0x0;
	s0 =	rddreg [dreg:$0x2]  }
0xed: {  	s0 =	sadd.s32 @!p0 $0x100000, s0  }
0xee: {  	[sflag:s0] =	ssyncadd.tile.s32 @!p0 $0x1;
	_ =	shalt  }
.Lfunc_end2:
_tile_overlayer_lowered:
.L_overlay_start_2:
0xef: {  	(tag) =	ssettag $0x2  }
0xf0: {  	s0 =	rddreg [dreg:$0x0];
	s2 =	stileid.u32  }
0xf1: {  	s1 =	rddreg [dreg:$0x1];
	p0 =	sne.s32 s2, $0x0  }
0xf2: {  	s3 =	rddreg [dreg:$0x2];
	[bflag:$0x3] =	sbarrier.arrive $0xFFFF;
	s2 =	simm.s32 @!p0 $0x1C09  }
0xf3: {  	[timem:s3], [sflag:s2] =	dma.local @!p0 [hbm:s0], s1  }
0xf4: {  	s0 =	simm.s32 @!p0 $0x9  }
0xf5: {  	_ =	swait.ge @!p0 [sflag:s0], s1  }
0xf6: {  	s1 =	ssub.s32 @!p0 $0x0, s1;
	[sflag:s0] =	ssyncset.done @!p0 $0x0  }
0xf7: {  	[sflag:s0] =	ssyncadd.s32 @!p0 s1  }
0xf8: {  	[bflag:$0x3] =	sbarrier.arrive $0xFFFF  }
0xf9: {  	_ =	shalt  }

// kernel: sparse-core-data-format-call.1.cloned.1.call-start
scs
called_computation.1_lowered:
.L_overlay_start_0:
0x0: {  	s2 =	sld [smem:$0x3FD9]  }
0x1: {  	s3 =	sld [smem:$0x3FFE];
	_ =	sdelay $0x1  }
0x2: {  	s1 =	srdreg.scid  }
0x3: {  	s0 =	sand.u32 $0x1, s1  }
0x4: {  	s18 =	sshll.u32 s0, $0xA;
	s2 =	sadd.s32 s3, s2  }
0x5: {  	s2 =	sadd.s32 s2, s18  }
0x6: {  	[smem:$0x3FC6] =	sst s2  }
0x7: {  	_ = 	snop  }
0x8: {  	s2 =	sld [smem:$0x3FC8];
	(tm) =	ssettm $0x1  }
0x9: {  	s19 =	sld [smem:$0x3FFB];
	_ =	sdelay $0x3  }
0xa: {  	_ =	strace s19  }
0xb: {  	s3 =	sld [smem:$0x3FFC];
	_ =	sdelay $0x3  }
0xc: {  	_ =	strace s3  }
0xd: {  	s3 =	sld [smem:$0x3FFD];
	_ =	sdelay $0x3  }
0xe: {  	_ =	strace s3  }
0xf: {  	_ =	strace $0x8FFFFFFF  }
0x10: {  	s20 =	sld [smem:$0x3FDB];
	_ =	sdelay $0x1  }
0x11: {  	s4 =	simm.s32 $_scs_section_size  }
0x12: {  	s5 =	simm.s32 $_size__tile_overlayer_lowered;
	s6 =	simm.s32 $_tile_overlayer_lowered  }
0x13: {  	s23 =	simm.s32 $0x1BFF;
	s22 =	sshll.u32 s6, $0x1;
	s3 =	sadd.s32 s4, s20  }
0x14: {  	s7 =	simm.s32 $0x0;
	s21 =	sshll.u32 s5, $0x1;
	s5 =	sadd.s32 s22, s3  }
0x15: {  	[timem:s7], [sflag:s23] =	dma.local [hbm:s5], s21  }
0x16: {  	_ =	swait.ge [sflag:s23], s21  }
0x17: {  	s4 =	ssub.s32 $0x0, s21;
	[sflag:s23] =	ssyncset.done $0x0  }
0x18: {  	[sflag:s23] =	ssyncadd.s32 s4;
	_ =	sdelay $0x1  }
0x19: {  	s24 =	simm.s32 $0x1B8B  }
0x1a: {  	_ =	swait.ge [sflag:s24], $0x1  }
0x1b: {  	[sflag:s24] =	ssyncset.done $0x0  }
0x1c: {  	s26 =	simm.s32 $0x1B8E;
	s25 =	sld [smem:$0x3FFE];
	[sflag:s24] =	ssyncadd.s32 $0xFFFFFFFF  }
0x1d: {  	s27 =	simm.s32 $execute0_lowered;
	[smem:$0x3FD2] =	sst s26  }
0x1e: {  	s5 =	sshll.u32 s27, $0x1;
	_ =	strace $0x80000046;
	[dreg:$0x1] =	wrdreg $0xFFFFFFFF  }
0x1f: {  	s28 =	simm.s32 $_size_execute0_lowered;
	s3 =	sadd.s32 s3, s5;
	[dreg:$0x0] =	wrdreg $0x0  }
0x20: {  	s5 =	sshll.u32 s28, $0x1;
	[dreg:$0x2] =	wrdreg s3  }
0x21: {  	[dreg:$0x3] =	wrdreg s5  }
0x22: {  	[dreg:$0x4] =	wrdreg $0xC0  }
0x23: {  	_ =	task [dreg:s7], $0x5FFFF  }
0x24: {  	[dreg:$0x1] =	wrdreg $0xFFFFFFFF  }
0x25: {  	[dreg:$0x0] =	wrdreg $0x60  }
0x26: {  	[dreg:$0x2] =	wrdreg s2  }
0x27: {  	[dreg:$0x3] =	wrdreg s25  }
0x28: {  	[dreg:$0x4] =	wrdreg $0x9  }
0x29: {  	_ =	task.clear_ibuf [dreg:s7], $0x5FFFF;
	_ =	strace $0x90000046  }
0x2a: {  	s29 =	simm.s32 $0x9;
	_ =	strace $0x80000048  }
0x2b: {  	_ =	swait.ge [sflag:s29], $0x1  }
0x2c: {  	[sflag:s29] =	ssyncadd.s32 $0xFFFFFFFF  }
0x2d: {  	_ =	strace $0x90000048  }
0x2e: {  	_ =	sfence  }
0x2f: {  	s30 =	sld [smem:$0x0];
	_ =	sdelay $0x2  }
0x30: {  	s31 =	sshll.u32 s1, $0xD;
	s1 =	sshrl.u32 s1, $0x2  }
0x31: {  	s3 =	sand.u32 $0x4000, s31;
	s1 =	sadd.s32 s1, s30  }
0x32: {  	s0 =	sor.u32 s3, s0;
	s1 =	sshll.u32 s1, $0x11  }
0x33: {  	s0 =	sor.u32 s1, s0  }
0x34: {  	s0 =	sadd.s32 $0x8F2B, s0  }
0x35: {  	[sflag:s0] =	ssyncadd.remote.s32 $0x1  }
0x36: {  	_ =	sfence.sel $0xFFFF  }
0x37: {  	[dreg:$0x0] =	wrdreg $0xFFFFFFFF;
	(pc) =	sbr.abs _section_cstart, $3  }
0x38: {  	[dreg:$0x1] =	wrdreg $0xFFFFFFFF  }
0x39: {  	_ =	task.clear_ibuf [dreg:s7], $0x2FFFF;
	_ =	strace $0x9FFFFFFF  }
0x3a: {  	(tm) =	ssettm $0x7FFFFFFF  }
0x3b: {  	_ =	shalt  }
tec
execute0_lowered:
.L_overlay_start_1:
0x0: {  	(tag) =	ssettag $0x1  }
0x1: {  	s0 =	srdreg.scid;
	s2 =	rddreg [dreg:$0x0]  }
0x2: {  	s5 =	rddreg [dreg:$0x1];
	s1 =	stileid.u32  }
0x3: {  	s4 =	simm.s32 $0x1;
	s6 =	simm.s32 $0x2;
	s15 =	simm.s32 $0x0  }
0x4: {  	p0 =	por $0x0, $0x0;
	s8 =	simm.s32 $0x80;
	s0 =	sshll.u32 s0, $0x4  }
0x5: {  	s14 =	simm.s32 $0x0;
	s9 =	simm.s32 $0x0;
	s3 =	sand.u32 $0x10, s0  }
.Ltmp0:
0x6: {  	s10 =	simm.s32 $0x0;
	s3 =	sor.u32 s1, s3;
	(pc) =	sbr.rel .LBB1_1-.Ltmp0, $4  }
0x7: {  	s0 =	rddreg [dreg:$0x2];
	_ =	strace $0x80000047;
	s3 =	sshll.u32 s3, $0x7  }
0x8: {  	s12 =	simm.s32 $0x0;
	[sflag:s4] =	ssyncpa.u1 $0x0;
	s7 =	ssub.s32 $0xF4200, s3  }
0x9: {  	s13 =	simm.s32 $0x0;
	[sflag:s6] =	ssyncpa.u1 $0x0;
	s6 =	sshrl.u32 s7, $0xC  }
0xa: {  	s5 =	sadd.s32 $0xE00, s5;
	s11 =	smov.u32 s3;
	s7 =	sadd.s32 $0x2, s6  }
.LBB1_5:
0xb: {  	p1 =	slt.u32 s13, $0x2  }
0xc: {  	s17 =	smov.u32 s15;
	p2 =	sgt.s32 @!p1 s15, $0xF41C0;
	s16 =	sshra.s32 @!p1 s15, $0x1F  }
0xd: {  	p3 =	sgt.s32 @!p1 s14, $0x40;
	s18 =	sshra.s32 @!p1 s14, $0x1F;
	p2 =	por !p2, p1  }
0xe: {  	s15 =	sand.u32 @!p1 s16, s15;
	p3 =	por !p3, p1;
	s16 =	smov.u32 s14  }
0xf: {  	s14 =	sand.u32 @!p1 s18, s14;
	s17 =	simm.s32 @p2 $0xF41C0;
	s16 =	simm.s32 @p3 $0x40  }
0x10: {  	s15 =	ssub.s32 @!p1 s17, s15;
	s14 =	ssub.s32 @!p1 s16, s14  }
0x11: {  	s18 =	smov.u32 s12;
	s16 =	sadd.s32 @!p1 $0xFFF0BE40, s15;
	s17 =	sadd.s32 @!p1 $0xFFFFFFC0, s14  }
0x12: {  	s15 =	ssub.s32 @!p1 $0xF4240, s15;
	p2 =	sgt.s32 @!p1 s16, $0x7F;
	p3 =	sgt.s32 @!p1 s17, $0x3F  }
0x13: {  	s14 =	ssub.s32 @!p1 $0x80, s14;
	p2 =	por !p2, p1;
	p3 =	por !p3, p1  }
0x14: {  	s16 =	sadd.s32 $0x1000, s11;
	s15 =	simm.s32 @!p2 $0x0;
	s14 =	simm.s32 @!p3 $0x0  }
0x15: {  	p2 =	sgt.s32 s16, $0xF423F;
	s14 =	smul.u32 @!p1 s14, s15;
	s15 =	sadd.s32 $0x40, s12  }
0x16: {  	s18 =	smov.u32 @p2 s15  }
0x17: {  	s16 =	smov.u32 @p2 s3;
	p2 =	sgt.s32 s18, $0x3F  }
0x18: {  	s18 =	simm.s32 @p2 $0x0;
	p2 =	sne.s32 s13, s7  }
.Ltmp1:
0x19: {  	p0 =	por !p0, !p0;
	s17 =	simm.s32 @!p1 $0x2;
	(pc) =	sbr.rel @!p2 .LBB1_6-.Ltmp1, $4  }
0x1a: {  	s15 =	smov.u32 s9;
	s9 =	smov.u32 s11;
	s14 =	sand.u32 @!p1 $0x3FFFFFFF, s14  }
0x1b: {  	s11 =	smov.u32 s16;
	_ =	swait.ge @!p1 [sflag:s17], s14;
	s19 =	ssub.s32 @!p1 $0x0, s14  }
0x1c: {  	s14 =	smov.u32 s10;
	s13 =	sadd.s32 $0x1, s13;
	[sflag:s17] =	ssyncset.done @!p1 $0x0  }
0x1d: {  	s10 =	smov.u32 s12;
	s12 =	smov.u32 s18;
	[sflag:s17] =	ssyncadd.s32 @!p1 s19  }
.LBB1_1:
0x1e: {  	p1 =	sgt.u32 s13, s6  }
0x1f: {  	s16 =	sshrl.u32 @!p1 s12, $0x3  }
0x20: {  	s17 =	sshll.u32 @!p1 s11, $0x3;
	s16 =	smul.u32 @!p1 $0x7A1400, s16  }
0x21: {  	s18 =	sshll.u32 @!p1 s12, $0x7;
	s17 =	sand.u32 @!p1 $0xFFFFFC00, s17  }
0x22: {  	s16 =	sadd.s32 @!p1 s16, s17;
	s17 =	sand.u32 @!p1 $0x380, s18  }
0x23: {  	s18 =	sand.u32 @!p1 $0x7F, s11;
	s16 =	sor.u32 @!p1 s17, s16  }
0x24: {  	s17 =	sor.u32 @!p1 s18, s16  }
0x25: {  	s18 =	smulhi.u32 @!p1 $0x218D6287, s17;
	_ =	sdelay $0x1  }
0x26: {  	s16 =	smulhi.u32 @!p1 $0x218D6287, s16;
	s18 =	sshrl.u32 @!p1 s18, $0x11  }
0x27: {  	s18 =	smul.u32 @!p1 $0xF4280, s18  }
0x28: {  	s19 =	sxor.u32 @!p1 $0xFFFFFFFF, s13;
	s16 =	sshrl.u32 @!p1 s16, $0x11  }
0x29: {  	s19 =	sshll.u32 @!p1 s19, $0xD;
	s16 =	sand.u32 @!p1 $0x3F, s16;
	s17 =	ssub.s32 @!p1 s17, s18  }
0x2a: {  	s16 =	smul.u32 @!p1 $0x1E850, s16;
	s18 =	sshrl.u32 @!p1 s17, $0x3;
	s17 =	sand.u32 @!p1 $0x7, s17  }
0x2b: {  	s19 =	sand.u32 @!p1 $0x2000, s19;
	s18 =	sadd.s32 @!p1 s2, s18;
	s17 =	sshll.u32 @!p1 s17, $0x12  }
0x2c: {  	s16 =	sadd.s32 @!p1 s16, s18;
	s17 =	sor.u32 @!p1 $0x400, s17;
	s18 =	simm.s32 @!p1 $0x7A1400  }
0x2d: {  	[tilespmem:s19], [sflag:$0x1] =	stream.strided.gather @!p1 [hbm4b:s16+s17], $0x2000, s18, s17, $0x38;
	[tilespmem:$0x8100] =	vst v63  }
0x2e: {  	p1 =	seq.s32 s13, $0x0  }
0x2f: {  	p2 =	sge.u32 @!p1 s13, s7  }
0x30: {  	p1 =	por p1, p2  }
.Ltmp2:
0x31: {  	_ = 	snop;
	(pc) =	sbr.rel @p1 .LBB1_5-.Ltmp2, $1  }
0x32: {  	_ =	sdelay $0x3  }
0x33: {  	s16 =	simm.s32 $0x1  }
0x34: {  	_ =	swait.ge [sflag:s4], $0x2000;
	s16 =	simm.s32 @!p0 $0x0  }
0x35: {  	[sflag:s4] =	ssyncset.done $0x0;
	s17 =	sshll.u32 s16, $0xD  }
0x36: {  	[sflag:s4] =	ssyncadd.s32 $0xFFFFE000;
	s17 =	sor.u32 $0x40, s17  }
0x37: {  	s16 =	smul.u32 $0x8200, s16;
	v0 =	vld [tilespmem:s17+$0x30]  }
0x38: {  	v1 =	vld [tilespmem:s17+$0xFFFFFFD0]  }
0x39: {  	s16 =	sshrl.u32 s16, $0x2;
	v5 =	vld [tilespmem:s17+$0xFFFFFFE0]  }
0x3a: {  	v6 =	vld [tilespmem:s17+$0xFFFFFFF0];
	s19 =	sor.u32 $0x4000, s16  }
0x3b: {  	s31 =	sand.u32 $0x1, s13;
	v4 =	vld [tilespmem:s17+$0x0];
	s18 =	sadd.s32 $0x0, s19  }
0x3c: {  	v3 =	vld [tilespmem:s17+$0x10];
	s16 =	smul.u32 $0x8200, s31;
	[tilespmem:s18+$0x1C70 ss:$0x41] =	vst.msk $0xffff, v0  }
0x3d: {  	v2 =	vld [tilespmem:s17+$0x20];
	[tilespmem:s18+$0x410 ss:$0x41] =	vst.msk $0xffff, v1  }
0x3e: {  	s16 =	sshrl.u32 s16, $0x2;
	v1 =	vld [tilespmem:s17+$0xFFFFFFC0];
	[tilespmem:s18+$0x820 ss:$0x41] =	vst.msk $0xffff, v5;
	s17 =	sadd.s32 $0x80, s17  }
0x3f: {  	s20 =	simm.s32 $0x4;
	s21 =	simm.s32 $0x8;
	s16 =	sor.u32 $0x4000, s16;
	[tilespmem:s18+$0xC30 ss:$0x41] =	vst.msk $0xffff, v6;
	v0 =	vld [tilespmem:s17+$0x30]  }
.LBB1_3:
0x40: {  	p1 =	sne.s32 s21, $0xFC;
	v5 =	vld [tilespmem:s17+$0xFFFFFFD0];
	[tilespmem:s18+$0x1040 ss:$0x41] =	vst.msk $0xffff, v4  }
0x41: {  	v6 =	vld [tilespmem:s17+$0xFFFFFFE0];
	[tilespmem:s18+$0x1450 ss:$0x41] =	vst.msk $0xffff, v3  }
0x42: {  	s22 =	sshra.s32 s20, $0x2;
	s20 =	smov.u32 s21;
	v7 =	vld [tilespmem:s17+$0xFFFFFFF0];
	[tilespmem:s18+$0x1860 ss:$0x41] =	vst.msk $0xffff, v2  }
.Ltmp3:
0x43: {  	v4 =	vld [tilespmem:s17+$0x0];
	[tilespmem:s18+$0x0 ss:$0x41] =	vst.msk $0xffff, v1;
	s18 =	sadd.s32 s22, s19;
	(pc) =	sbr.rel @p1 .LBB1_3-.Ltmp3, $4  }
0x44: {  	v3 =	vld [tilespmem:s17+$0x10];
	[tilespmem:s18+$0x1C70 ss:$0x41] =	vst.msk $0xffff, v0  }
0x45: {  	[tilespmem:s18+$0x410 ss:$0x41] =	vst.msk $0xffff, v5;
	v2 =	vld [tilespmem:s17+$0x20]  }
0x46: {  	v1 =	vld [tilespmem:s17+$0xFFFFFFC0];
	[tilespmem:s18+$0x820 ss:$0x41] =	vst.msk $0xffff, v6;
	s17 =	sadd.s32 $0x80, s17  }
0x47: {  	s21 =	sadd.s32 $0x4, s21;
	v0 =	vld [tilespmem:s17+$0x30];
	[tilespmem:s18+$0xC30 ss:$0x41] =	vst.msk $0xffff, v7  }
0x48: {  	s21 =	sshll.u32 s9, $0x7;
	s22 =	sshll.u32 s10, $0x3;
	s20 =	sshra.s32 s20, $0x2  }
0x49: {  	p1 =	sgt.s32 s9, $0xF41C0;
	s30 =	sshra.s32 s9, $0x1F;
	s25 =	sshra.s32 s10, $0x1F  }
0x4a: {  	v5 =	vld [tilespmem:s17+$0xFFFFFFD0];
	s28 =	sshrl.u32 s10, $0x3;
	s23 =	sand.u32 $0xFFFFFC00, s21;
	s22 =	sand.u32 $0xFFFFFC00, s22  }
0x4b: {  	[tilespmem:s18+$0x1040 ss:$0x41] =	vst.msk $0xffff, v4;
	v58 =	vld [tilespmem:s17+$0xFFFFFFE0];
	s21 =	sand.u32 $0x380, s21;
	s19 =	sadd.s32 s20, s19;
	s22 =	sadd.s32 s22, s23  }
0x4c: {  	v59 =	vld [tilespmem:s17+$0xFFFFFFF0];
	[tilespmem:s18+$0x1450 ss:$0x41] =	vst.msk $0xffff, v3;
	s29 =	sor.u32 s21, s22;
	s21 =	smov.u32 s9;
	s22 =	sand.u32 s30, s9  }
0x4d: {  	v60 =	vld [tilespmem:s17+$0x0];
	[tilespmem:s18+$0x1860 ss:$0x41] =	vst.msk $0xffff, v2;
	s30 =	sand.u32 $0x7, s10;
	s20 =	sshrl.u32 s29, $0x7;
	s21 =	simm.s32 @!p1 $0xF41C0  }
0x4e: {  	v61 =	vld [tilespmem:s17+$0x10];
	[tilespmem:s18+$0x0 ss:$0x41] =	vst.msk $0xffff, v1;
	p1 =	sgt.s32 s10, $0x40;
	s24 =	ssub.s32 s21, s22;
	s21 =	smov.u32 s10  }
0x4f: {  	v62 =	vld [tilespmem:s17+$0x20];
	[tilespmem:s19+$0x1C70 ss:$0x41] =	vst.msk $0xffff, v0;
	s31 =	smulhi.u32 $0x218DEF5, s20;
	s22 =	sand.u32 s25, s10;
	s21 =	simm.s32 @!p1 $0x40  }
0x50: {  	v63 =	vld [tilespmem:s17+$0xFFFFFFC0];
	[tilespmem:s19+$0x410 ss:$0x41] =	vst.msk $0xffff, v5;
	s26 =	sadd.s32 $0xFFF0BE40, s24;
	s17 =	ssub.s32 $0xF4240, s24;
	s21 =	ssub.s32 s21, s22  }
0x51: {  	[tilespmem:s19+$0x820 ss:$0x41] =	vst.msk $0xffff, v58;
	s23 =	sshrl.u32 s31, $0xD;
	p1 =	sgt.s32 s26, $0x7F;
	s27 =	sadd.s32 $0xFFFFFFC0, s21  }
0x52: {  	[tilespmem:s19+$0xC30 ss:$0x41] =	vst.msk $0xffff, v59;
	s23 =	smul.u32 $0xF4240, s23;
	s18 =	ssub.s32 $0x80, s21;
	p2 =	sgt.s32 s27, $0x3F  }
.Ltmp4:
0x53: {  	[tilespmem:s19+$0x1040 ss:$0x41] =	vst.msk $0xffff, v60;
	s17 =	simm.s32 @p1 $0x0;
	s18 =	simm.s32 @p2 $0x0;
	(pc) =	sbr.rel .LBB1_5-.Ltmp4, $4  }
0x54: {  	s29 =	sand.u32 $0xF, s28;
	[tilespmem:s19+$0x1450 ss:$0x41] =	vst.msk $0xffff, v61;
	s20 =	ssub.s32 s20, s23;
	s17 =	smul.u32 s18, s17  }
0x55: {  	[tilespmem:s19+$0x1860 ss:$0x41] =	vst.msk $0xffff, v62;
	s21 =	sshll.u32 s30, $0x12;
	s20 =	sshll.u32 s20, $0x4;
	s18 =	sadd.s32 s5, s29  }
0x56: {  	[tilespmem:s19+$0x0 ss:$0x41] =	vst.msk $0xffff, v63;
	s31 =	sor.u32 $0x40, s21;
	s18 =	sadd.s32 s20, s18;
	s17 =	sand.u32 $0x3FFFFFFF, s17  }
0x57: {  	[hbm4b:s18+s31] =	stream.strided.scatter [tilespmem:s16], [sflag:$0x2], s17, s8, s31, $0x18;
	[tilespmem:$0x8100] =	vst v63  }
.LBB1_6:
0x58: {  	_ =	sfence.sel $0x180000  }
0x59: {  	s2 =	simm.s32 $0x1;
	[bflag:$0x0] =	sbarrier.arrive $0xFFFF  }
0x5a: {  	s31 =	simm.s32 $0x2;
	[sflag:s2] =	ssyncpa.u1 $0x1  }
0x5b: {  	[sflag:s31] =	ssyncpa.u1 $0x1  }
0x5c: {  	p0 =	sne.s32 s1, $0x0;
	_ =	strace $0x90000047  }
0x5d: {  	s0 =	sadd.s32 @!p0 $0x100000, s0;
	[bflag:$0x2] =	sbarrier.arrive $0xFFFF  }
0x5e: {  	[sflag:s0] =	ssyncadd.tile.s32 @!p0 $0x1;
	_ =	shalt  }
.Lfunc_end1:
_tile_overlayer_lowered:
.L_overlay_start_2:
0x5f: {  	(tag) =	ssettag $0x2  }
0x60: {  	s0 =	rddreg [dreg:$0x0];
	s2 =	stileid.u32  }
0x61: {  	s1 =	rddreg [dreg:$0x1];
	p0 =	sne.s32 s2, $0x0  }
0x62: {  	s3 =	rddreg [dreg:$0x2];
	[bflag:$0x3] =	sbarrier.arrive $0xFFFF;
	s2 =	simm.s32 @!p0 $0x1C01  }
0x63: {  	[timem:s3], [sflag:s2] =	dma.local @!p0 [hbm:s0], s1  }
0x64: {  	s0 =	simm.s32 @!p0 $0x1  }
0x65: {  	_ =	swait.ge @!p0 [sflag:s0], s1  }
0x66: {  	s1 =	ssub.s32 @!p0 $0x0, s1;
	[sflag:s0] =	ssyncset.done @!p0 $0x0  }
0x67: {  	[sflag:s0] =	ssyncadd.s32 @!p0 s1  }
0x68: {  	[bflag:$0x3] =	sbarrier.arrive $0xFFFF  }
0x69: {  	_ =	shalt  }

// kernel: sparse-core-data-format-call.cloned.1.call-start
scs
called_computation_lowered:
.L_overlay_start_0:
0x0: {  	s2 =	sld [smem:$0x3FD9]  }
0x1: {  	s3 =	sld [smem:$0x3FFE];
	_ =	sdelay $0x1  }
0x2: {  	s1 =	srdreg.scid  }
0x3: {  	s0 =	sand.u32 $0x1, s1  }
0x4: {  	s18 =	sshll.u32 s0, $0xA;
	s2 =	sadd.s32 s3, s2  }
0x5: {  	s2 =	sadd.s32 s2, s18  }
0x6: {  	[smem:$0x3FC6] =	sst s2  }
0x7: {  	_ = 	snop  }
0x8: {  	s2 =	sld [smem:$0x3FD0];
	(tm) =	ssettm $0x1  }
0x9: {  	s19 =	sld [smem:$0x3FFB];
	_ =	sdelay $0x3  }
0xa: {  	_ =	strace s19  }
0xb: {  	s3 =	sld [smem:$0x3FFC];
	_ =	sdelay $0x3  }
0xc: {  	_ =	strace s3  }
0xd: {  	s3 =	sld [smem:$0x3FFD];
	_ =	sdelay $0x3  }
0xe: {  	_ =	strace s3  }
0xf: {  	_ =	strace $0x8FFFFFFF  }
0x10: {  	s20 =	sld [smem:$0x3FDB];
	_ =	sdelay $0x1  }
0x11: {  	s4 =	simm.s32 $_scs_section_size  }
0x12: {  	s5 =	simm.s32 $_size__tile_overlayer_lowered;
	s6 =	simm.s32 $_tile_overlayer_lowered  }
0x13: {  	s23 =	simm.s32 $0x1BFF;
	s22 =	sshll.u32 s6, $0x1;
	s3 =	sadd.s32 s4, s20  }
0x14: {  	s7 =	simm.s32 $0x0;
	s21 =	sshll.u32 s5, $0x1;
	s5 =	sadd.s32 s22, s3  }
0x15: {  	[timem:s7], [sflag:s23] =	dma.local [hbm:s5], s21  }
0x16: {  	_ =	swait.ge [sflag:s23], s21  }
0x17: {  	s4 =	ssub.s32 $0x0, s21;
	[sflag:s23] =	ssyncset.done $0x0  }
0x18: {  	[sflag:s23] =	ssyncadd.s32 s4;
	_ =	sdelay $0x1  }
0x19: {  	s24 =	simm.s32 $0x1B8B  }
0x1a: {  	_ =	swait.ge [sflag:s24], $0x1  }
0x1b: {  	[sflag:s24] =	ssyncset.done $0x0  }
0x1c: {  	s26 =	simm.s32 $0x1B8E;
	s25 =	sld [smem:$0x3FFE];
	[sflag:s24] =	ssyncadd.s32 $0xFFFFFFFF  }
0x1d: {  	s27 =	simm.s32 $execute0_lowered;
	[smem:$0x3FD2] =	sst s26  }
0x1e: {  	s5 =	sshll.u32 s27, $0x1;
	_ =	strace $0x8000004C;
	[dreg:$0x1] =	wrdreg $0xFFFFFFFF  }
0x1f: {  	s28 =	simm.s32 $_size_execute0_lowered;
	s3 =	sadd.s32 s3, s5;
	[dreg:$0x0] =	wrdreg $0x0  }
0x20: {  	s5 =	sshll.u32 s28, $0x1;
	[dreg:$0x2] =	wrdreg s3  }
0x21: {  	[dreg:$0x3] =	wrdreg s5  }
0x22: {  	[dreg:$0x4] =	wrdreg $0xC0  }
0x23: {  	_ =	task [dreg:s7], $0x5FFFF  }
0x24: {  	[dreg:$0x1] =	wrdreg $0xFFFFFFFF  }
0x25: {  	[dreg:$0x0] =	wrdreg $0x60  }
0x26: {  	[dreg:$0x2] =	wrdreg s25  }
0x27: {  	[dreg:$0x3] =	wrdreg s2  }
0x28: {  	[dreg:$0x4] =	wrdreg $0x9  }
0x29: {  	_ =	task.clear_ibuf [dreg:s7], $0x5FFFF;
	_ =	strace $0x9000004C  }
0x2a: {  	s29 =	simm.s32 $0x9;
	_ =	strace $0x8000004E  }
0x2b: {  	_ =	swait.ge [sflag:s29], $0x1  }
0x2c: {  	[sflag:s29] =	ssyncadd.s32 $0xFFFFFFFF  }
0x2d: {  	_ =	strace $0x9000004E  }
0x2e: {  	_ =	sfence  }
0x2f: {  	s30 =	sld [smem:$0x0];
	_ =	sdelay $0x2  }
0x30: {  	s31 =	sshll.u32 s1, $0xD;
	s1 =	sshrl.u32 s1, $0x2  }
0x31: {  	s3 =	sand.u32 $0x4000, s31;
	s1 =	sadd.s32 s1, s30  }
0x32: {  	s0 =	sor.u32 s3, s0;
	s1 =	sshll.u32 s1, $0x11  }
0x33: {  	s0 =	sor.u32 s1, s0  }
0x34: {  	s0 =	sadd.s32 $0x8F2B, s0  }
0x35: {  	[sflag:s0] =	ssyncadd.remote.s32 $0x1  }
0x36: {  	_ =	sfence.sel $0xFFFF  }
0x37: {  	[dreg:$0x0] =	wrdreg $0xFFFFFFFF;
	(pc) =	sbr.abs _section_cstart, $3  }
0x38: {  	[dreg:$0x1] =	wrdreg $0xFFFFFFFF  }
0x39: {  	_ =	task.clear_ibuf [dreg:s7], $0x2FFFF;
	_ =	strace $0x9FFFFFFF  }
0x3a: {  	(tm) =	ssettm $0x7FFFFFFF  }
0x3b: {  	_ =	shalt  }
tec
execute0_lowered:
.L_overlay_start_1:
0x0: {  	(tag) =	ssettag $0x1  }
0x1: {  	s0 =	srdreg.scid  }
0x2: {  	s1 =	sshll.u32 s0, $0x4  }
0x3: {  	s0 =	stileid.u32;
	s1 =	sand.u32 $0x10, s1  }
0x4: {  	s1 =	sor.u32 s0, s1  }
0x5: {  	s6 =	rddreg [dreg:$0x0];
	s4 =	simm.s32 $0x1;
	s2 =	sshll.u32 s1, $0x7  }
0x6: {  	s7 =	simm.s32 $0x2;
	s12 =	simm.s32 $0x0;
	s1 =	ssub.s32 $0x1000, s2  }
0x7: {  	s8 =	simm.s32 $0x8000;
	s13 =	simm.s32 $0x0;
	s3 =	sand.u32 $0xF80, s1  }
0x8: {  	s9 =	simm.s32 $0x0;
	s5 =	sshrl.u32 s1, $0xC;
	p0 =	sne.s32 s3, $0x0  }
.Ltmp0:
0x9: {  	s1 =	rddreg [dreg:$0x2];
	s4 =	simm.s32 @!p0 $0x0;
	(pc) =	sbr.rel .LBB1_1-.Ltmp0, $4  }
0xa: {  	s11 =	simm.s32 $0x0;
	s3 =	rddreg [dreg:$0x1];
	s5 =	sadd.s32 s4, s5  }
0xb: {  	_ =	strace $0x8000004D;
	s4 =	simm.s32 $0x1;
	s5 =	smul.u32 $0xC8, s5  }
0xc: {  	s6 =	sadd.s32 $0xE00, s6;
	s10 =	smov.u32 s2;
	[sflag:s4] =	ssyncpa.u1 $0x0  }
0xd: {  	p0 =	por $0x0, $0x0;
	[sflag:s7] =	ssyncpa.u1 $0x0;
	s7 =	sor.u32 $0x1, s5  }
.LBB1_4:
0xe: {  	s16 =	sshll.u32 s13, $0x3;
	s17 =	sand.u32 $0x78, s13  }
0xf: {  	s30 =	sand.u32 $0x7E00, s13;
	s12 =	sshll.u32 s12, $0xF;
	s16 =	sand.u32 $0xC00, s16  }
0x10: {  	[tilespmem:s15+$0x810 ss:$0x81] =	vst.msk $0xffff, v2;
	s31 =	sand.u32 $0x7, s13;
	s16 =	sor.u32 s17, s16;
	s17 =	sadd.s32 s3, s30  }
0x11: {  	[tilespmem:s15+$0x1020 ss:$0x81] =	vst.msk $0xffff, v0;
	s13 =	sshll.u32 s31, $0x12;
	s12 =	sadd.s32 s12, s17;
	s16 =	sshrl.u32 s16, $0x3  }
0x12: {  	[tilespmem:s15+$0x0 ss:$0x81] =	vst.msk $0xffff, v1;
	s13 =	sor.u32 $0x400, s13;
	s12 =	sadd.s32 s16, s12  }
0x13: {  	[hbm4b:s12+s13] =	stream.strided.scatter [tilespmem:s14], [sflag:$0x2], $0x2000, s8, s13, $0x20;
	[tilespmem:$0x8080] =	vst v63  }
.LBB1_5:
0x14: {  	s14 =	sadd.s32 $0x1, s9  }
0x15: {  	s12 =	sadd.s32 $0x1000, s10;
	s16 =	smov.u32 s10;
	p2 =	sgt.s32 s14, $0xC7  }
0x16: {  	s16 =	smov.u32 @p2 s12  }
0x17: {  	s14 =	simm.s32 @p2 $0x0;
	p2 =	sgt.s32 s16, $0xFFF  }
0x18: {  	s16 =	smov.u32 @p2 s2;
	p2 =	sne.s32 s11, s7  }
.Ltmp1:
0x19: {  	p1 =	slt.u32 s11, $0x2;
	(pc) =	sbr.rel @!p2 .LBB1_6-.Ltmp1, $4  }
0x1a: {  	s15 =	simm.s32 @!p1 $0x2  }
0x1b: {  	s13 =	smov.u32 s10;
	p0 =	por !p0, !p0;
	_ =	swait.ge @!p1 [sflag:s15], $0x2000  }
0x1c: {  	s12 =	smov.u32 s9;
	[sflag:s15] =	ssyncset.done @!p1 $0x0;
	s9 =	smov.u32 s14  }
0x1d: {  	s11 =	sadd.s32 $0x1, s11;
	[sflag:s15] =	ssyncadd.s32 @!p1 $0xFFFFE000;
	s10 =	smov.u32 s16  }
.LBB1_1:
0x1e: {  	p1 =	sge.u32 s11, s5  }
0x1f: {  	s14 =	sand.u32 @!p1 $0x1FFFFFF, s9  }
0x20: {  	s15 =	smulhi.u32 @!p1 $0x147AE15, s14;
	_ =	sdelay $0x1  }
0x21: {  	s15 =	smul.u32 @!p1 $0xC8, s15  }
0x22: {  	s16 =	sxor.u32 @!p1 $0xFFFFFFFF, s11;
	s17 =	smul.u32 @!p1 $0xC80, s10  }
0x23: {  	s31 =	sadd.s32 $0xFFFFFFFF, s11;
	s16 =	sshll.u32 @!p1 s16, $0xD;
	s14 =	ssub.s32 @!p1 s14, s15  }
0x24: {  	s15 =	sand.u32 @!p1 $0x2000, s16;
	s16 =	sadd.s32 @!p1 s6, s17;
	s14 =	sshll.u32 @!p1 s14, $0x4  }
0x25: {  	s17 =	simm.s32 @!p1 $0x6400;
	s14 =	sadd.s32 @!p1 s14, s16;
	s16 =	simm.s32 @!p1 $0x40  }
0x26: {  	[tilespmem:s15], [sflag:$0x1] =	stream.strided.gather @!p1 [hbm4b:s14+s16], $0x2000, s17, s16, $0x38;
	[tilespmem:$0x8080] =	vst v63  }
0x27: {  	p1 =	sge.u32 s31, s5  }
.Ltmp2:
0x28: {  	_ = 	snop;
	(pc) =	sbr.rel @p1 .LBB1_5-.Ltmp2, $1  }
0x29: {  	_ =	sdelay $0x3  }
0x2a: {  	s14 =	simm.s32 $0x1  }
0x2b: {  	_ =	swait.ge [sflag:s4], $0x2000;
	s14 =	simm.s32 @!p0 $0x0  }
0x2c: {  	[sflag:s4] =	ssyncset.done $0x0;
	s15 =	sshll.u32 s14, $0xD  }
0x2d: {  	[sflag:s4] =	ssyncadd.s32 $0xFFFFE000;
	s18 =	sor.u32 $0x20, s15  }
0x2e: {  	s14 =	smul.u32 $0x8100, s14;
	v3 =	vld [tilespmem:s18+$0x10]  }
0x2f: {  	s30 =	sand.u32 $0x1, s11;
	v2 =	vld [tilespmem:s18+$0xFFFFFFF0]  }
0x30: {  	s15 =	smul.u32 $0x8100, s30;
	s14 =	sshrl.u32 s14, $0x2;
	v0 =	vld [tilespmem:s18+$0x0]  }
0x31: {  	v1 =	vld [tilespmem:s18+$0xFFFFFFE0];
	s16 =	sor.u32 $0x4000, s14  }
0x32: {  	s31 =	sshrl.u32 s15, $0x2;
	s15 =	sadd.s32 $0x0, s16  }
0x33: {  	s17 =	simm.s32 $0x4;
	s18 =	sadd.s32 $0x40, s18;
	s14 =	sor.u32 $0x4000, s31;
	[tilespmem:s15+$0x1830 ss:$0x81] =	vst.msk $0xffff, v3  }
.LBB1_3:
0x34: {  	v3 =	vld [tilespmem:s18+$0x10];
	p1 =	sne.s32 s17, $0x1FC;
	[tilespmem:s15+$0x810 ss:$0x81] =	vst.msk $0xffff, v2;
	s19 =	smov.u32 s17;
	s17 =	sadd.s32 $0x4, s17  }
.Ltmp3:
0x35: {  	v2 =	vld [tilespmem:s18+$0xFFFFFFF0];
	[tilespmem:s15+$0x1020 ss:$0x81] =	vst.msk $0xffff, v0;
	(pc) =	sbr.rel @p1 .LBB1_3-.Ltmp3, $4  }
0x36: {  	v0 =	vld [tilespmem:s18+$0x0];
	[tilespmem:s15+$0x0 ss:$0x81] =	vst.msk $0xffff, v1  }
0x37: {  	s15 =	sshra.s32 s19, $0x2;
	v1 =	vld [tilespmem:s18+$0xFFFFFFE0]  }
0x38: {  	s15 =	sadd.s32 s15, s16  }
0x39: {  	s18 =	sadd.s32 $0x40, s18;
	[tilespmem:s15+$0x1830 ss:$0x81] =	vst.msk $0xffff, v3  }
.Ltmp4:
0x3a: {  	_ = 	snop;
	(pc) =	sbr.rel .LBB1_4-.Ltmp4, $1  }
0x3b: {  	_ =	sdelay $0x3  }
.LBB1_6:
0x3c: {  	_ =	sfence.sel $0x180000  }
0x3d: {  	s2 =	simm.s32 $0x1;
	[bflag:$0x0] =	sbarrier.arrive $0xFFFF  }
0x3e: {  	s31 =	simm.s32 $0x2;
	[sflag:s2] =	ssyncpa.u1 $0x1  }
0x3f: {  	[sflag:s31] =	ssyncpa.u1 $0x1  }
0x40: {  	p0 =	sne.s32 s0, $0x0;
	_ =	strace $0x9000004D  }
0x41: {  	s0 =	sadd.s32 @!p0 $0x100000, s1;
	[bflag:$0x2] =	sbarrier.arrive $0xFFFF  }
0x42: {  	[sflag:s0] =	ssyncadd.tile.s32 @!p0 $0x1;
	_ =	shalt  }
.Lfunc_end1:
_tile_overlayer_lowered:
.L_overlay_start_2:
0x43: {  	(tag) =	ssettag $0x2  }
0x44: {  	s0 =	rddreg [dreg:$0x0];
	s2 =	stileid.u32  }
0x45: {  	s1 =	rddreg [dreg:$0x1];
	p0 =	sne.s32 s2, $0x0  }
0x46: {  	s3 =	rddreg [dreg:$0x2];
	[bflag:$0x3] =	sbarrier.arrive $0xFFFF;
	s2 =	simm.s32 @!p0 $0x1C01  }
0x47: {  	[timem:s3], [sflag:s2] =	dma.local @!p0 [hbm:s0], s1  }
0x48: {  	s0 =	simm.s32 @!p0 $0x1  }
0x49: {  	_ =	swait.ge @!p0 [sflag:s0], s1  }
0x4a: {  	s1 =	ssub.s32 @!p0 $0x0, s1;
	[sflag:s0] =	ssyncset.done @!p0 $0x0  }
0x4b: {  	[sflag:s0] =	ssyncadd.s32 @!p0 s1  }
0x4c: {  	[bflag:$0x3] =	sbarrier.arrive $0xFFFF  }
0x4d: {  	_ =	shalt  }

</sc_bundles>
